<compile_context>
chip_gen: v7x
topology: tpu7x:2x2x1
jax: 0.10.2.dev20260603
libtpu: 0.0.44.dev20260713+nightly
codegen_flags: <defaults>
</compile_context>

<pallas_src>
import functools

import jax
import jax.numpy as jnp
from jax.experimental import pallas as pl
from jax.experimental.pallas import tpu as pltpu
from jax.experimental.pallas import tpu_sc as plsc

_N = 10000
_D = 128
_K = 16
_BLOCK = 1000
_RB = 200
_NPAD = 10240
_SCN = 10240
_NW = 32
_PERW = _SCN // _NW
_CH = 8
_NCHUNK = _PERW // _CH



def _topk_body(xt_ref, xb_ref, g_ref, t_ref, vals_ref, idx_ref):
    t = jnp.exp(jnp.clip(t_ref[0, 0], -5.0, 5.0))
    xb = xb_ref[...]
    xt = xt_ref[...]
    ab = jax.lax.dot_general(
        xb, xt, (((1,), (0,)), ((), ())),
        preferred_element_type=jnp.float32,
        precision=jax.lax.Precision.DEFAULT)
    sqb = jnp.sum(xb * xb, axis=1)
    sqc = jnp.sum(xt * xt, axis=0)
    d2 = sqb[:, None] + sqc[None, :] - 2.0 * ab
    lq = -d2 * t - g_ref[...]
    col = jax.lax.broadcasted_iota(jnp.int32, lq.shape, 1)
    col16 = jax.lax.broadcasted_iota(jnp.int32, (_RB, _K), 1)
    vals = jnp.zeros((_RB, _K), jnp.float32)
    idxs = jnp.zeros((_RB, _K), jnp.int32)
    for k in range(_K):
        m = jnp.max(lq, axis=1)
        eq = lq >= m[:, None]
        a = jnp.min(jnp.where(eq, col, _N), axis=1).astype(jnp.int32)
        vals = jnp.where(col16 == k, m[:, None], vals)
        idxs = jnp.where(col16 == k, a[:, None], idxs)
        if k + 1 < _K:
            lq = jnp.where(eq, -jnp.inf, lq)
    vals_ref[...] = vals
    idx_ref[...] = idxs


def _topk(x, xt, g, t, row0, rows):
    grid = rows // _RB
    b0 = row0 // _RB
    return pl.pallas_call(
        _topk_body,
        grid=(grid,),
        in_specs=[
            pl.BlockSpec((_D, _N), lambda i: (0, 0)),
            pl.BlockSpec((_RB, _D), lambda i: (b0 + i, 0)),
            pl.BlockSpec((_RB, _N), lambda i: (b0 + i, 0)),
            pl.BlockSpec((1, 1), lambda i: (0, 0)),
        ],
        out_specs=[
            pl.BlockSpec((_RB, _K), lambda i: (i, 0)),
            pl.BlockSpec((_RB, _K), lambda i: (i, 0)),
        ],
        out_shape=[
            jax.ShapeDtypeStruct((rows, _K), jnp.float32),
            jax.ShapeDtypeStruct((rows, _K), jnp.int32),
        ],
    )(xt, x, g, t)



def _gather_body(row0, x_hbm, idx_hbm, out_hbm, idxall_v, rows_v, acc_v,
                 sem0, sem1):
    wid = jax.lax.axis_index("s") * 2 + jax.lax.axis_index("c")
    base = wid * _PERW
    sems = (sem0, sem1)

    pltpu.sync_copy(idx_hbm.at[pl.ds(base * _K, _PERW * _K)], idxall_v)

    def _start(ci, b):
        pltpu.async_copy(
            x_hbm.at[idxall_v.at[pl.ds(ci * _CH * _K, _CH * _K)]],
            rows_v.at[b], sems[b])

    _start(0, 0)

    @pl.loop(0, _NCHUNK)
    def _chunk(ci):
        b = jax.lax.rem(ci, 2)

        @pl.when(ci + 1 < _NCHUNK)
        def _prefetch():
            @pl.when(b == 0)
            def _():
                _start(ci + 1, 1)

            @pl.when(b == 1)
            def _():
                _start(ci + 1, 0)

        nb = base + ci * _CH
        pltpu.sync_copy(x_hbm.at[pl.ds(row0 + nb, _CH)], acc_v)

        @pl.when(b == 0)
        def _acc0():
            pltpu.make_async_copy(x_hbm.at[pl.ds(0, _CH * _K)],
                                  rows_v.at[0], sem0).wait()
            _accumulate(rows_v, 0, acc_v)

        @pl.when(b == 1)
        def _acc1():
            pltpu.make_async_copy(x_hbm.at[pl.ds(0, _CH * _K)],
                                  rows_v.at[1], sem1).wait()
            _accumulate(rows_v, 1, acc_v)

        pltpu.sync_copy(acc_v, out_hbm.at[pl.ds(nb, _CH)])


def _accumulate(rows_v, b, acc_v):
    @pl.loop(0, _CH)
    def _node(n):
        @pl.loop(0, _D, step=16)
        def _col(c0):
            sl = pl.ds(c0, 16)
            v = acc_v[n, sl]
            for j in range(_K):
                v = v + rows_v[b, n * _K + j, sl]
            acc_v[n, sl] = v


def _gather_sum(x_pad, idx_flat, row0):
    mesh = plsc.VectorSubcoreMesh(core_axis_name="c", subcore_axis_name="s")
    kern = functools.partial(
        pl.kernel,
        mesh=mesh,
        out_type=jax.ShapeDtypeStruct((_SCN, _D), jnp.float32),
        scratch_types=[
            pltpu.VMEM((_PERW * _K,), jnp.int32),
            pltpu.VMEM((2, _CH * _K, _D), jnp.float32),
            pltpu.VMEM((_CH, _D), jnp.float32),
            pltpu.SemaphoreType.DMA,
            pltpu.SemaphoreType.DMA,
        ],
    )(functools.partial(_gather_body, row0))
    return kern(x_pad, idx_flat)



def _mlp_body(agg_ref, w_ref, b_ref, fw_ref, fb_ref, out_ref):
    h = jax.lax.dot_general(
        agg_ref[...] * (1.0 / 17.0), w_ref[...], (((1,), (0,)), ((), ())),
        preferred_element_type=jnp.float32,
        precision=jax.lax.Precision.HIGHEST)
    h = jnp.maximum(h + b_ref[...], 0.0)
    o = jax.lax.dot_general(
        h, fw_ref[...], (((1,), (0,)), ((), ())),
        preferred_element_type=jnp.float32,
        precision=jax.lax.Precision.HIGHEST)
    out_ref[...] = o + fb_ref[...]


def _mlp(agg, w, b, fw, fb):
    rb = 256
    grid = _SCN // rb
    return pl.pallas_call(
        _mlp_body,
        grid=(grid,),
        in_specs=[
            pl.BlockSpec((rb, _D), lambda i: (i, 0)),
            pl.BlockSpec((_D, _D), lambda i: (0, 0)),
            pl.BlockSpec((1, _D), lambda i: (0, 0)),
            pl.BlockSpec((_D, 12), lambda i: (0, 0)),
            pl.BlockSpec((1, 12), lambda i: (0, 0)),
        ],
        out_specs=pl.BlockSpec((rb, 12), lambda i: (i, 0)),
        out_shape=jax.ShapeDtypeStruct((_SCN, 12), jnp.float32),
    )(agg, w, b, fw, fb)



def _np_threefry2x32(k1, k2, x0, x1):
    import numpy as np
    rotations = ((13, 15, 26, 6), (17, 29, 16, 24))
    ks = (np.uint32(k1), np.uint32(k2),
          np.uint32(np.uint32(k1) ^ np.uint32(k2) ^ np.uint32(0x1BD11BDA)))
    x0 = (x0 + ks[0]).astype(np.uint32)
    x1 = (x1 + ks[1]).astype(np.uint32)

    def rotl(v, d):
        return ((v << np.uint32(d)) | (v >> np.uint32(32 - d))).astype(np.uint32)

    for i in range(5):
        for r in rotations[i % 2]:
            x0 = (x0 + x1).astype(np.uint32)
            x1 = rotl(x1, r)
            x1 = (x1 ^ x0).astype(np.uint32)
        x0 = (x0 + ks[(i + 1) % 3]).astype(np.uint32)
        x1 = (x1 + ks[(i + 2) % 3] + np.uint32(i + 1)).astype(np.uint32)
    return x0, x1


def _np_threefry_bits(key, size):
    import numpy as np
    idx = np.arange(size, dtype=np.uint32)
    b0, b1 = _np_threefry2x32(key[0], key[1], np.zeros(size, np.uint32), idx)
    return b0 ^ b1


def _gumbel_noise_host():
    import numpy as np
    base = (np.uint32(0), np.uint32(1))
    blocks = []
    for i in range(_N // _BLOCK):
        f0, f1 = _np_threefry2x32(base[0], base[1],
                                  np.zeros(1, np.uint32),
                                  np.full(1, i, np.uint32))
        sub = (f0[0], f1[0])
        bits = _np_threefry_bits(sub, _BLOCK * _N)
        fb = ((bits >> np.uint32(9)) | np.uint32(0x3F800000)).view(np.float32)
        u = fb - np.float32(1.0)
        u = u * (np.float32(1.0) - np.float32(1e-8)) + np.float32(1e-8)
        q = np.maximum(np.float32(1e-8), u).reshape(_BLOCK, _N)
        blocks.append(np.log(-np.log(q)))
    return np.concatenate(blocks, axis=0)


_G_CONST = _gumbel_noise_host()


def _gumbel_noise():
    return jnp.asarray(_G_CONST)


def kernel(x, gcn_W, gcn_b, fc_W, fc_b, temperature):
    graph_x = jax.lax.stop_gradient(x)
    g = _gumbel_noise()
    t = jnp.reshape(temperature, (1, 1))
    xt = graph_x.T
    b2 = jnp.reshape(gcn_b, (1, _D))
    fb2 = jnp.reshape(fc_b, (1, 12))
    x_pad = jnp.concatenate(
        [x, jnp.zeros((_NPAD - _N, _D), jnp.float32)], axis=0)

    vals, idx = _topk(graph_x, xt, g, t, 0, _N)
    idx_pad = jnp.concatenate(
        [idx, jnp.zeros((_NPAD - _N, _K), jnp.int32)], axis=0)
    agg = _gather_sum(x_pad, idx_pad.reshape(-1), 0)
    out = _mlp(agg, gcn_W, b2, fc_W, fb2)[:_N]
    return out, vals[..., None]

# --- scband reference (transcript-rebuilt; emitter-appended) ---
"""Pipeline reference for scband-dgmmodel-58308476011174 (READ-ONLY COPY).

The authoritative reference and input builder live on the scoring server;
editing this copy changes nothing except your own understanding.
"""

import jax, jax.numpy as jnp
import numpy as np

N = 10000
D_FEAT = 128
K = 16
OUT_DIM = 12
BLOCK = 1000


def _dgm_knn(x, temperature, key):
    # DGM_d with Identity embed (ffun='knn'): negative squared euclidean
    # distances scaled by exp(clamp(temperature)), Gumbel-perturbed top-k
    # sampling without replacement -> edges [2, N*K] and logprobs [N, K].
    t = jnp.exp(jnp.clip(temperature, -5.0, 5.0))
    sq = jnp.sum(x * x, axis=1)
    nb = N // BLOCK

    def body(i):
        xb = jax.lax.dynamic_slice_in_dim(x, i * BLOCK, BLOCK, 0)
        sqb = jax.lax.dynamic_slice_in_dim(sq, i * BLOCK, BLOCK, 0)
        d2 = sqb[:, None] + sq[None, :] - 2.0 * (xb @ x.T)
        logits = -d2 * t
        q = jax.random.uniform(jax.random.fold_in(key, i), (BLOCK, N), minval=1e-8, maxval=1.0)
        lq = logits - jnp.log(-jnp.log(q))
        lp, idx = jax.lax.top_k(lq, K)
        return lp, idx

    lp, idx = jax.lax.map(body, jnp.arange(nb))
    logprobs = lp.reshape(N, K)
    indices = idx.reshape(N, K)
    src = indices.reshape(-1)
    dst = jnp.repeat(jnp.arange(N), K)
    return src, dst, logprobs


def _gcn(x, W, b, src, dst):
    # PyG-style GCNConv with added self-loops and symmetric normalization.
    xw = x @ W
    loop = jnp.arange(N)
    s = jnp.concatenate([src, loop])
    t = jnp.concatenate([dst, loop])
    deg = jnp.zeros((N,), x.dtype).at[t].add(1.0)
    dinv = jnp.where(deg > 0, 1.0 / jnp.sqrt(deg), 0.0)
    norm = dinv[s] * dinv[t]
    out = jnp.zeros((N, xw.shape[1]), x.dtype).at[t].add(xw[s] * norm[:, None])
    return out + b


def setup_inputs(seed: int = 0) -> dict:
    key = jax.random.key(seed)
    ks = jax.random.split(key, 5)
    x = jax.random.normal(ks[0], (N, D_FEAT), dtype=jnp.float32)
    gcn_W = jax.random.normal(ks[1], (D_FEAT, D_FEAT), dtype=jnp.float32) / np.sqrt(D_FEAT)
    gcn_b = jnp.zeros((D_FEAT,), jnp.float32)
    fc_W = jax.random.normal(ks[2], (D_FEAT, OUT_DIM), dtype=jnp.float32) / np.sqrt(D_FEAT)
    fc_b = jnp.zeros((OUT_DIM,), jnp.float32)
    temperature = jnp.asarray(4.0, jnp.float32)
    return {"x": x, "gcn_W": gcn_W, "gcn_b": gcn_b, "fc_W": fc_W, "fc_b": fc_b, "temperature": temperature}


def reference(x, gcn_W, gcn_b, fc_W, fc_b, temperature):
    # DGMModel.forward, dgm_mode='simple', one (DGM_d-knn, GCNConv) layer,
    # eval mode (dropout inactive). graph_x = x.detach().
    graph_x = jax.lax.stop_gradient(x)
    src, dst, logprobs = _dgm_knn(graph_x, temperature, jax.random.key(1))
    h = jax.nn.relu(_gcn(x, gcn_W, gcn_b, src, dst))
    out = h @ fc_W + fc_b
    # torch: stack([lprobs], -1) over 1 layer then [0] -> [N, K, 1]
    return out, logprobs[..., None]

if __name__ == "__main__":
    import jax
    _d = setup_inputs()
    print(jax.jit(kernel)(*tuple(_d.values())))

</pallas_src>

<mosaic_0001>
#map = affine_map<(d0, d1) -> (0, 0)>
#map1 = affine_map<(d0, d1) -> (0)>
module attributes {stable_mosaic.version = 14 : i64} {
  func.func @_gather_body(%arg0: i32, %arg1: i32, %arg2: memref<10240x128xf32, #tpu.memory_space<hbm>>, %arg3: memref<163840xi32, #tpu.memory_space<hbm>>, %arg4: memref<10240x128xf32, #tpu.memory_space<hbm>>, %arg5: memref<5120xi32, #tpu.memory_space<vmem>>, %arg6: memref<2x128x128xf32, #tpu.memory_space<vmem>>, %arg7: memref<8x128xf32, #tpu.memory_space<vmem>>, %arg8: memref<!tpu.dma_semaphore, #tpu.memory_space<semaphore_mem>>, %arg9: memref<!tpu.dma_semaphore, #tpu.memory_space<semaphore_mem>>) attributes {dimension_semantics = [#tpu.dimension_semantics<core_parallel>, #tpu.dimension_semantics<subcore_parallel>], iteration_bounds = array<i64: 2, 16>, scalar_prefetch = 0 : i64, scratch_operands = 5 : i64, tpu.core_type = #tpu.core_type<sc_vector_subcore>, window_params = [{transform_indices = #map}, {transform_indices = #map1}, {transform_indices = #map}]} {
    %mul3A = arith.constant 2 : i32
    %mul3A_0 = arith.muli %arg1, %mul3A : i32
    %add3A = arith.addi %mul3A_0, %arg0 : i32
    %mul3A_1 = arith.constant 320 : i32
    %mul3A_2 = arith.muli %add3A, %mul3A_1 : i32
    %mul3A_3 = arith.constant 16 : i32
    %mul3A_4 = arith.muli %mul3A_2, %mul3A_3 : i32
    "tpu.region"() ({
      %run_scoped3A = tpu.sem_alloc : memref<!tpu.dma_semaphore, #tpu.memory_space<semaphore_mem>>
      %dma_start3A_18 = tpu.memref_slice %arg3[%mul3A_4] : memref<163840xi32, #tpu.memory_space<hbm>> -> memref<5120xi32, #tpu.memory_space<hbm>>
      %dma_start3A_19 = tpu.memref_slice %arg3[%mul3A_4] : memref<163840xi32, #tpu.memory_space<hbm>> -> memref<5120xi32, #tpu.memory_space<hbm>>
      tpu.enqueue_dma source(%dma_start3A_19 : memref<5120xi32, #tpu.memory_space<hbm>>) target(%arg5 : memref<5120xi32, #tpu.memory_space<vmem>>) target_semaphore(%run_scoped3A : memref<!tpu.dma_semaphore, #tpu.memory_space<semaphore_mem>>)
      %dma_wait3A = tpu.memref_slice %arg3[%mul3A_4] : memref<163840xi32, #tpu.memory_space<hbm>> -> memref<5120xi32, #tpu.memory_space<hbm>>
      %dma_wait3A_20 = tpu.memref_slice %arg3[%mul3A_4] : memref<163840xi32, #tpu.memory_space<hbm>> -> memref<5120xi32, #tpu.memory_space<hbm>>
      tpu.wait_dma2 semaphore(%run_scoped3A : memref<!tpu.dma_semaphore, #tpu.memory_space<semaphore_mem>>) src(%dma_wait3A_20 : memref<5120xi32, #tpu.memory_space<hbm>>) dst(%arg5 : memref<5120xi32, #tpu.memory_space<vmem>>)
      tpu.yield
    }) : () -> ()
    %dma_start3A = arith.constant 0 : i32
    %dma_start3A_5 = arith.constant 0 : i32
    %dma_start3A_6 = arith.constant 0 : i32
    %dma_start3A_7 = tpu.memref_slice %arg6[%dma_start3A, %dma_start3A_5, %dma_start3A_6] : memref<2x128x128xf32, #tpu.memory_space<vmem>> -> memref<1x128x128xf32, #tpu.memory_space<vmem>>
    %dma_start3A_8 = tpu.memref_squeeze %dma_start3A_7 : memref<1x128x128xf32, #tpu.memory_space<vmem>> -> memref<128x128xf32, #tpu.memory_space<vmem>>
    %dma_start3A_9 = arith.constant 0 : i32
    %dma_start3A_10 = tpu.memref_slice %arg5[%dma_start3A_9] : memref<5120xi32, #tpu.memory_space<vmem>> -> memref<128xi32, #tpu.memory_space<vmem>>
    %dma_start3A_11 = arith.constant 0 : i32
    %dma_start3A_12 = arith.constant 0 : i32
    %dma_start3A_13 = tpu.memref_slice %arg2[%dma_start3A_11, %dma_start3A_12] : memref<10240x128xf32, #tpu.memory_space<hbm>> -> memref<10240x128xf32, #tpu.memory_space<hbm>>
    tpu.enqueue_indirect_dma source(%dma_start3A_13 : memref<10240x128xf32, #tpu.memory_space<hbm>>) target(%dma_start3A_8 : memref<128x128xf32, #tpu.memory_space<vmem>>) offsets(%dma_start3A_10 : memref<128xi32, #tpu.memory_space<vmem>>) semaphore(%arg8 : memref<!tpu.dma_semaphore, #tpu.memory_space<semaphore_mem>>)
    %scan3A = arith.constant 0 : i32
    %scan3A_14 = arith.constant 40 : i32
    %scan3A_15 = arith.addi %scan3A, %scan3A_14 : i32
    %scan3A_16 = arith.constant 1 : i32
    scf.for %scan3A_18 = %scan3A to %scan3A_15 step %scan3A_16  : i32 {
      %mul3A_19 = arith.constant 1 : i32
      %mul3A_20 = arith.muli %scan3A_18, %mul3A_19 : i32
      %add3A_21 = arith.constant 0 : i32
      %add3A_22 = arith.addi %add3A_21, %mul3A_20 : i32
      %rem3A = arith.constant 2 : i32
      %rem3A_23 = arith.remsi %add3A_22, %rem3A : i32
      %add3A_24 = arith.constant 1 : i32
      %add3A_25 = arith.addi %add3A_22, %add3A_24 : i32
      %lt3A = arith.constant 40 : i32
      %lt3A_26 = arith.cmpi slt, %add3A_25, %lt3A : i32
      %convert_element_type3A = arith.extui %lt3A_26 : i1 to i32
      %cond3A = arith.constant 0 : i32
      %cond3A_27 = arith.cmpi ne, %convert_element_type3A, %cond3A : i32
      scf.if %cond3A_27 {
        %eq3A_42 = arith.constant 0 : i32
        %eq3A_43 = arith.cmpi eq, %rem3A_23, %eq3A_42 : i32
        %convert_element_type3A_44 = arith.extui %eq3A_43 : i1 to i32
        %cond3A_45 = arith.constant 0 : i32
        %cond3A_46 = arith.cmpi ne, %convert_element_type3A_44, %cond3A_45 : i32
        scf.if %cond3A_46 {
          %add3A_52 = arith.constant 1 : i32
          %add3A_53 = arith.addi %add3A_22, %add3A_52 : i32
          %mul3A_54 = arith.constant 8 : i32
          %mul3A_55 = arith.muli %add3A_53, %mul3A_54 : i32
          %mul3A_56 = arith.constant 16 : i32
          %mul3A_57 = arith.muli %mul3A_55, %mul3A_56 : i32
          %dma_start3A_58 = arith.constant 1 : i32
          %dma_start3A_59 = arith.constant 0 : i32
          %dma_start3A_60 = arith.constant 0 : i32
          %dma_start3A_61 = tpu.memref_slice %arg6[%dma_start3A_58, %dma_start3A_59, %dma_start3A_60] : memref<2x128x128xf32, #tpu.memory_space<vmem>> -> memref<1x128x128xf32, #tpu.memory_space<vmem>>
          %dma_start3A_62 = tpu.memref_squeeze %dma_start3A_61 : memref<1x128x128xf32, #tpu.memory_space<vmem>> -> memref<128x128xf32, #tpu.memory_space<vmem>>
          %dma_start3A_63 = tpu.memref_slice %arg5[%mul3A_57] : memref<5120xi32, #tpu.memory_space<vmem>> -> memref<128xi32, #tpu.memory_space<vmem>>
          %dma_start3A_64 = arith.constant 0 : i32
          %dma_start3A_65 = arith.constant 0 : i32
          %dma_start3A_66 = tpu.memref_slice %arg2[%dma_start3A_64, %dma_start3A_65] : memref<10240x128xf32, #tpu.memory_space<hbm>> -> memref<10240x128xf32, #tpu.memory_space<hbm>>
          tpu.enqueue_indirect_dma source(%dma_start3A_66 : memref<10240x128xf32, #tpu.memory_space<hbm>>) target(%dma_start3A_62 : memref<128x128xf32, #tpu.memory_space<vmem>>) offsets(%dma_start3A_63 : memref<128xi32, #tpu.memory_space<vmem>>) semaphore(%arg9 : memref<!tpu.dma_semaphore, #tpu.memory_space<semaphore_mem>>)
        } else {
        }
        %eq3A_47 = arith.constant 1 : i32
        %eq3A_48 = arith.cmpi eq, %rem3A_23, %eq3A_47 : i32
        %convert_element_type3A_49 = arith.extui %eq3A_48 : i1 to i32
        %cond3A_50 = arith.constant 0 : i32
        %cond3A_51 = arith.cmpi ne, %convert_element_type3A_49, %cond3A_50 : i32
        scf.if %cond3A_51 {
          %add3A_52 = arith.constant 1 : i32
          %add3A_53 = arith.addi %add3A_22, %add3A_52 : i32
          %mul3A_54 = arith.constant 8 : i32
          %mul3A_55 = arith.muli %add3A_53, %mul3A_54 : i32
          %mul3A_56 = arith.constant 16 : i32
          %mul3A_57 = arith.muli %mul3A_55, %mul3A_56 : i32
          %dma_start3A_58 = arith.constant 0 : i32
          %dma_start3A_59 = arith.constant 0 : i32
          %dma_start3A_60 = arith.constant 0 : i32
          %dma_start3A_61 = tpu.memref_slice %arg6[%dma_start3A_58, %dma_start3A_59, %dma_start3A_60] : memref<2x128x128xf32, #tpu.memory_space<vmem>> -> memref<1x128x128xf32, #tpu.memory_space<vmem>>
          %dma_start3A_62 = tpu.memref_squeeze %dma_start3A_61 : memref<1x128x128xf32, #tpu.memory_space<vmem>> -> memref<128x128xf32, #tpu.memory_space<vmem>>
          %dma_start3A_63 = tpu.memref_slice %arg5[%mul3A_57] : memref<5120xi32, #tpu.memory_space<vmem>> -> memref<128xi32, #tpu.memory_space<vmem>>
          %dma_start3A_64 = arith.constant 0 : i32
          %dma_start3A_65 = arith.constant 0 : i32
          %dma_start3A_66 = tpu.memref_slice %arg2[%dma_start3A_64, %dma_start3A_65] : memref<10240x128xf32, #tpu.memory_space<hbm>> -> memref<10240x128xf32, #tpu.memory_space<hbm>>
          tpu.enqueue_indirect_dma source(%dma_start3A_66 : memref<10240x128xf32, #tpu.memory_space<hbm>>) target(%dma_start3A_62 : memref<128x128xf32, #tpu.memory_space<vmem>>) offsets(%dma_start3A_63 : memref<128xi32, #tpu.memory_space<vmem>>) semaphore(%arg8 : memref<!tpu.dma_semaphore, #tpu.memory_space<semaphore_mem>>)
        } else {
        }
      } else {
      }
      %mul3A_28 = arith.constant 8 : i32
      %mul3A_29 = arith.muli %add3A_22, %mul3A_28 : i32
      %add3A_30 = arith.addi %mul3A_2, %mul3A_29 : i32
      %add3A_31 = arith.constant 0 : i32
      %add3A_32 = arith.addi %add3A_31, %add3A_30 : i32
      "tpu.region"() ({
        %run_scoped3A = tpu.sem_alloc : memref<!tpu.dma_semaphore, #tpu.memory_space<semaphore_mem>>
        %dma_start3A_42 = arith.constant 0 : i32
        %dma_start3A_43 = tpu.memref_slice %arg2[%add3A_32, %dma_start3A_42] : memref<10240x128xf32, #tpu.memory_space<hbm>> -> memref<8x128xf32, #tpu.memory_space<hbm>>
        %dma_start3A_44 = arith.constant 0 : i32
        %dma_start3A_45 = tpu.memref_slice %arg2[%add3A_32, %dma_start3A_44] : memref<10240x128xf32, #tpu.memory_space<hbm>> -> memref<8x128xf32, #tpu.memory_space<hbm>>
        tpu.enqueue_dma source(%dma_start3A_45 : memref<8x128xf32, #tpu.memory_space<hbm>>) target(%arg7 : memref<8x128xf32, #tpu.memory_space<vmem>>) target_semaphore(%run_scoped3A : memref<!tpu.dma_semaphore, #tpu.memory_space<semaphore_mem>>)
        %dma_wait3A = arith.constant 0 : i32
        %dma_wait3A_46 = tpu.memref_slice %arg2[%add3A_32, %dma_wait3A] : memref<10240x128xf32, #tpu.memory_space<hbm>> -> memref<8x128xf32, #tpu.memory_space<hbm>>
        %dma_wait3A_47 = arith.constant 0 : i32
        %dma_wait3A_48 = tpu.memref_slice %arg2[%add3A_32, %dma_wait3A_47] : memref<10240x128xf32, #tpu.memory_space<hbm>> -> memref<8x128xf32, #tpu.memory_space<hbm>>
        tpu.wait_dma2 semaphore(%run_scoped3A : memref<!tpu.dma_semaphore, #tpu.memory_space<semaphore_mem>>) src(%dma_wait3A_48 : memref<8x128xf32, #tpu.memory_space<hbm>>) dst(%arg7 : memref<8x128xf32, #tpu.memory_space<vmem>>)
        tpu.yield
      }) : () -> ()
      %eq3A = arith.constant 0 : i32
      %eq3A_33 = arith.cmpi eq, %rem3A_23, %eq3A : i32
      %convert_element_type3A_34 = arith.extui %eq3A_33 : i1 to i32
      %cond3A_35 = arith.constant 0 : i32
      %cond3A_36 = arith.cmpi ne, %convert_element_type3A_34, %cond3A_35 : i32
      scf.if %cond3A_36 {
        %dma_wait3A = arith.constant 0 : i32
        %dma_wait3A_42 = arith.constant 0 : i32
        %dma_wait3A_43 = arith.constant 0 : i32
        %dma_wait3A_44 = tpu.memref_slice %arg6[%dma_wait3A, %dma_wait3A_42, %dma_wait3A_43] : memref<2x128x128xf32, #tpu.memory_space<vmem>> -> memref<1x128x128xf32, #tpu.memory_space<vmem>>
        %dma_wait3A_45 = tpu.memref_squeeze %dma_wait3A_44 : memref<1x128x128xf32, #tpu.memory_space<vmem>> -> memref<128x128xf32, #tpu.memory_space<vmem>>
        %dma_wait3A_46 = arith.constant 0 : i32
        %dma_wait3A_47 = arith.constant 0 : i32
        %dma_wait3A_48 = tpu.memref_slice %arg2[%dma_wait3A_46, %dma_wait3A_47] : memref<10240x128xf32, #tpu.memory_space<hbm>> -> memref<128x128xf32, #tpu.memory_space<hbm>>
        %dma_wait3A_49 = arith.constant 0 : i32
        %dma_wait3A_50 = arith.constant 0 : i32
        %dma_wait3A_51 = tpu.memref_slice %arg6[%dma_wait3A, %dma_wait3A_49, %dma_wait3A_50] : memref<2x128x128xf32, #tpu.memory_space<vmem>> -> memref<1x128x128xf32, #tpu.memory_space<vmem>>
        %dma_wait3A_52 = tpu.memref_squeeze %dma_wait3A_51 : memref<1x128x128xf32, #tpu.memory_space<vmem>> -> memref<128x128xf32, #tpu.memory_space<vmem>>
        %dma_wait3A_53 = arith.constant 0 : i32
        %dma_wait3A_54 = arith.constant 0 : i32
        %dma_wait3A_55 = tpu.memref_slice %arg2[%dma_wait3A_53, %dma_wait3A_54] : memref<10240x128xf32, #tpu.memory_space<hbm>> -> memref<128x128xf32, #tpu.memory_space<hbm>>
        tpu.wait_dma2 semaphore(%arg8 : memref<!tpu.dma_semaphore, #tpu.memory_space<semaphore_mem>>) src(%dma_wait3A_55 : memref<128x128xf32, #tpu.memory_space<hbm>>) dst(%dma_wait3A_52 : memref<128x128xf32, #tpu.memory_space<vmem>>)
        %scan3A_56 = arith.constant 0 : i32
        %scan3A_57 = arith.constant 8 : i32
        %scan3A_58 = arith.addi %scan3A_56, %scan3A_57 : i32
        %scan3A_59 = arith.constant 1 : i32
        scf.for %scan3A_61 = %scan3A_56 to %scan3A_58 step %scan3A_59  : i32 {
          %mul3A_62 = arith.constant 1 : i32
          %mul3A_63 = arith.muli %scan3A_61, %mul3A_62 : i32
          %add3A_64 = arith.constant 0 : i32
          %add3A_65 = arith.addi %add3A_64, %mul3A_63 : i32
          %scan3A_66 = arith.constant 0 : i32
          %scan3A_67 = arith.constant 8 : i32
          %scan3A_68 = arith.addi %scan3A_66, %scan3A_67 : i32
          %scan3A_69 = arith.constant 1 : i32
          scf.for %scan3A_71 = %scan3A_66 to %scan3A_68 step %scan3A_69  : i32 {
            %mul3A_72 = arith.constant 16 : i32
            %mul3A_73 = arith.muli %scan3A_71, %mul3A_72 : i32
            %add3A_74 = arith.constant 0 : i32
            %add3A_75 = arith.addi %add3A_74, %mul3A_73 : i32
            %get3A = arith.index_cast %add3A_65 : i32 to index
            %get3A_76 = arith.index_cast %add3A_75 : i32 to index
            %get3A_77 = tpu.vector_load %arg7[%get3A, %get3A_76] {strides = array<i32>} : memref<8x128xf32, #tpu.memory_space<vmem>>, vector<1x16xf32>,
            %get3A_78 = vector.shape_cast %get3A_77 : vector<1x16xf32> to vector<16xf32>
            %mul3A_79 = arith.constant 16 : i32
            %mul3A_80 = arith.muli %add3A_65, %mul3A_79 : i32
            %add3A_81 = arith.constant 0 : i32
            %add3A_82 = arith.addi %mul3A_80, %add3A_81 : i32
            %get3A_83 = arith.constant 0 : i32
            %get3A_84 = arith.index_cast %get3A_83 : i32 to index
            %get3A_85 = arith.index_cast %add3A_82 : i32 to index
            %get3A_86 = arith.index_cast %add3A_75 : i32 to index
            %get3A_87 = tpu.vector_load %arg6[%get3A_84, %get3A_85, %get3A_86] {strides = array<i32>} : memref<2x128x128xf32, #tpu.memory_space<vmem>>, vector<1x1x16xf32>,
            %get3A_88 = vector.shape_cast %get3A_87 : vector<1x1x16xf32> to vector<16xf32>
            %add3A_89 = arith.addf %get3A_78, %get3A_88 : vector<16xf32>
            %mul3A_90 = arith.constant 16 : i32
            %mul3A_91 = arith.muli %add3A_65, %mul3A_90 : i32
            %add3A_92 = arith.constant 1 : i32
            %add3A_93 = arith.addi %mul3A_91, %add3A_92 : i32
            %get3A_94 = arith.constant 0 : i32
            %get3A_95 = arith.index_cast %get3A_94 : i32 to index
            %get3A_96 = arith.index_cast %add3A_93 : i32 to index
            %get3A_97 = arith.index_cast %add3A_75 : i32 to index
            %get3A_98 = tpu.vector_load %arg6[%get3A_95, %get3A_96, %get3A_97] {strides = array<i32>} : memref<2x128x128xf32, #tpu.memory_space<vmem>>, vector<1x1x16xf32>,
            %get3A_99 = vector.shape_cast %get3A_98 : vector<1x1x16xf32> to vector<16xf32>
            %add3A_100 = arith.addf %add3A_89, %get3A_99 : vector<16xf32>
            %mul3A_101 = arith.constant 16 : i32
            %mul3A_102 = arith.muli %add3A_65, %mul3A_101 : i32
            %add3A_103 = arith.constant 2 : i32
            %add3A_104 = arith.addi %mul3A_102, %add3A_103 : i32
            %get3A_105 = arith.constant 0 : i32
            %get3A_106 = arith.index_cast %get3A_105 : i32 to index
            %get3A_107 = arith.index_cast %add3A_104 : i32 to index
            %get3A_108 = arith.index_cast %add3A_75 : i32 to index
            %get3A_109 = tpu.vector_load %arg6[%get3A_106, %get3A_107, %get3A_108] {strides = array<i32>} : memref<2x128x128xf32, #tpu.memory_space<vmem>>, vector<1x1x16xf32>,
            %get3A_110 = vector.shape_cast %get3A_109 : vector<1x1x16xf32> to vector<16xf32>
            %add3A_111 = arith.addf %add3A_100, %get3A_110 : vector<16xf32>
            %mul3A_112 = arith.constant 16 : i32
            %mul3A_113 = arith.muli %add3A_65, %mul3A_112 : i32
            %add3A_114 = arith.constant 3 : i32
            %add3A_115 = arith.addi %mul3A_113, %add3A_114 : i32
            %get3A_116 = arith.constant 0 : i32
            %get3A_117 = arith.index_cast %get3A_116 : i32 to index
            %get3A_118 = arith.index_cast %add3A_115 : i32 to index
            %get3A_119 = arith.index_cast %add3A_75 : i32 to index
            %get3A_120 = tpu.vector_load %arg6[%get3A_117, %get3A_118, %get3A_119] {strides = array<i32>} : memref<2x128x128xf32, #tpu.memory_space<vmem>>, vector<1x1x16xf32>,
            %get3A_121 = vector.shape_cast %get3A_120 : vector<1x1x16xf32> to vector<16xf32>
            %add3A_122 = arith.addf %add3A_111, %get3A_121 : vector<16xf32>
            %mul3A_123 = arith.constant 16 : i32
            %mul3A_124 = arith.muli %add3A_65, %mul3A_123 : i32
            %add3A_125 = arith.constant 4 : i32
            %add3A_126 = arith.addi %mul3A_124, %add3A_125 : i32
            %get3A_127 = arith.constant 0 : i32
            %get3A_128 = arith.index_cast %get3A_127 : i32 to index
            %get3A_129 = arith.index_cast %add3A_126 : i32 to index
            %get3A_130 = arith.index_cast %add3A_75 : i32 to index
            %get3A_131 = tpu.vector_load %arg6[%get3A_128, %get3A_129, %get3A_130] {strides = array<i32>} : memref<2x128x128xf32, #tpu.memory_space<vmem>>, vector<1x1x16xf32>,
            %get3A_132 = vector.shape_cast %get3A_131 : vector<1x1x16xf32> to vector<16xf32>
            %add3A_133 = arith.addf %add3A_122, %get3A_132 : vector<16xf32>
            %mul3A_134 = arith.constant 16 : i32
            %mul3A_135 = arith.muli %add3A_65, %mul3A_134 : i32
            %add3A_136 = arith.constant 5 : i32
            %add3A_137 = arith.addi %mul3A_135, %add3A_136 : i32
            %get3A_138 = arith.constant 0 : i32
            %get3A_139 = arith.index_cast %get3A_138 : i32 to index
            %get3A_140 = arith.index_cast %add3A_137 : i32 to index
            %get3A_141 = arith.index_cast %add3A_75 : i32 to index
            %get3A_142 = tpu.vector_load %arg6[%get3A_139, %get3A_140, %get3A_141] {strides = array<i32>} : memref<2x128x128xf32, #tpu.memory_space<vmem>>, vector<1x1x16xf32>,
            %get3A_143 = vector.shape_cast %get3A_142 : vector<1x1x16xf32> to vector<16xf32>
            %add3A_144 = arith.addf %add3A_133, %get3A_143 : vector<16xf32>
            %mul3A_145 = arith.constant 16 : i32
            %mul3A_146 = arith.muli %add3A_65, %mul3A_145 : i32
            %add3A_147 = arith.constant 6 : i32
            %add3A_148 = arith.addi %mul3A_146, %add3A_147 : i32
            %get3A_149 = arith.constant 0 : i32
            %get3A_150 = arith.index_cast %get3A_149 : i32 to index
            %get3A_151 = arith.index_cast %add3A_148 : i32 to index
            %get3A_152 = arith.index_cast %add3A_75 : i32 to index
            %get3A_153 = tpu.vector_load %arg6[%get3A_150, %get3A_151, %get3A_152] {strides = array<i32>} : memref<2x128x128xf32, #tpu.memory_space<vmem>>, vector<1x1x16xf32>,
            %get3A_154 = vector.shape_cast %get3A_153 : vector<1x1x16xf32> to vector<16xf32>
            %add3A_155 = arith.addf %add3A_144, %get3A_154 : vector<16xf32>
            %mul3A_156 = arith.constant 16 : i32
            %mul3A_157 = arith.muli %add3A_65, %mul3A_156 : i32
            %add3A_158 = arith.constant 7 : i32
            %add3A_159 = arith.addi %mul3A_157, %add3A_158 : i32
            %get3A_160 = arith.constant 0 : i32
            %get3A_161 = arith.index_cast %get3A_160 : i32 to index
            %get3A_162 = arith.index_cast %add3A_159 : i32 to index
            %get3A_163 = arith.index_cast %add3A_75 : i32 to index
            %get3A_164 = tpu.vector_load %arg6[%get3A_161, %get3A_162, %get3A_163] {strides = array<i32>} : memref<2x128x128xf32, #tpu.memory_space<vmem>>, vector<1x1x16xf32>,
            %get3A_165 = vector.shape_cast %get3A_164 : vector<1x1x16xf32> to vector<16xf32>
            %add3A_166 = arith.addf %add3A_155, %get3A_165 : vector<16xf32>
            %mul3A_167 = arith.constant 16 : i32
            %mul3A_168 = arith.muli %add3A_65, %mul3A_167 : i32
            %add3A_169 = arith.constant 8 : i32
            %add3A_170 = arith.addi %mul3A_168, %add3A_169 : i32
            %get3A_171 = arith.constant 0 : i32
            %get3A_172 = arith.index_cast %get3A_171 : i32 to index
            %get3A_173 = arith.index_cast %add3A_170 : i32 to index
            %get3A_174 = arith.index_cast %add3A_75 : i32 to index
            %get3A_175 = tpu.vector_load %arg6[%get3A_172, %get3A_173, %get3A_174] {strides = array<i32>} : memref<2x128x128xf32, #tpu.memory_space<vmem>>, vector<1x1x16xf32>,
            %get3A_176 = vector.shape_cast %get3A_175 : vector<1x1x16xf32> to vector<16xf32>
            %add3A_177 = arith.addf %add3A_166, %get3A_176 : vector<16xf32>
            %mul3A_178 = arith.constant 16 : i32
            %mul3A_179 = arith.muli %add3A_65, %mul3A_178 : i32
            %add3A_180 = arith.constant 9 : i32
            %add3A_181 = arith.addi %mul3A_179, %add3A_180 : i32
            %get3A_182 = arith.constant 0 : i32
            %get3A_183 = arith.index_cast %get3A_182 : i32 to index
            %get3A_184 = arith.index_cast %add3A_181 : i32 to index
            %get3A_185 = arith.index_cast %add3A_75 : i32 to index
            %get3A_186 = tpu.vector_load %arg6[%get3A_183, %get3A_184, %get3A_185] {strides = array<i32>} : memref<2x128x128xf32, #tpu.memory_space<vmem>>, vector<1x1x16xf32>,
            %get3A_187 = vector.shape_cast %get3A_186 : vector<1x1x16xf32> to vector<16xf32>
            %add3A_188 = arith.addf %add3A_177, %get3A_187 : vector<16xf32>
            %mul3A_189 = arith.constant 16 : i32
            %mul3A_190 = arith.muli %add3A_65, %mul3A_189 : i32
            %add3A_191 = arith.constant 10 : i32
            %add3A_192 = arith.addi %mul3A_190, %add3A_191 : i32
            %get3A_193 = arith.constant 0 : i32
            %get3A_194 = arith.index_cast %get3A_193 : i32 to index
            %get3A_195 = arith.index_cast %add3A_192 : i32 to index
            %get3A_196 = arith.index_cast %add3A_75 : i32 to index
            %get3A_197 = tpu.vector_load %arg6[%get3A_194, %get3A_195, %get3A_196] {strides = array<i32>} : memref<2x128x128xf32, #tpu.memory_space<vmem>>, vector<1x1x16xf32>,
            %get3A_198 = vector.shape_cast %get3A_197 : vector<1x1x16xf32> to vector<16xf32>
            %add3A_199 = arith.addf %add3A_188, %get3A_198 : vector<16xf32>
            %mul3A_200 = arith.constant 16 : i32
            %mul3A_201 = arith.muli %add3A_65, %mul3A_200 : i32
            %add3A_202 = arith.constant 11 : i32
            %add3A_203 = arith.addi %mul3A_201, %add3A_202 : i32
            %get3A_204 = arith.constant 0 : i32
            %get3A_205 = arith.index_cast %get3A_204 : i32 to index
            %get3A_206 = arith.index_cast %add3A_203 : i32 to index
            %get3A_207 = arith.index_cast %add3A_75 : i32 to index
            %get3A_208 = tpu.vector_load %arg6[%get3A_205, %get3A_206, %get3A_207] {strides = array<i32>} : memref<2x128x128xf32, #tpu.memory_space<vmem>>, vector<1x1x16xf32>,
            %get3A_209 = vector.shape_cast %get3A_208 : vector<1x1x16xf32> to vector<16xf32>
            %add3A_210 = arith.addf %add3A_199, %get3A_209 : vector<16xf32>
            %mul3A_211 = arith.constant 16 : i32
            %mul3A_212 = arith.muli %add3A_65, %mul3A_211 : i32
            %add3A_213 = arith.constant 12 : i32
            %add3A_214 = arith.addi %mul3A_212, %add3A_213 : i32
            %get3A_215 = arith.constant 0 : i32
            %get3A_216 = arith.index_cast %get3A_215 : i32 to index
            %get3A_217 = arith.index_cast %add3A_214 : i32 to index
            %get3A_218 = arith.index_cast %add3A_75 : i32 to index
            %get3A_219 = tpu.vector_load %arg6[%get3A_216, %get3A_217, %get3A_218] {strides = array<i32>} : memref<2x128x128xf32, #tpu.memory_space<vmem>>, vector<1x1x16xf32>,
            %get3A_220 = vector.shape_cast %get3A_219 : vector<1x1x16xf32> to vector<16xf32>
            %add3A_221 = arith.addf %add3A_210, %get3A_220 : vector<16xf32>
            %mul3A_222 = arith.constant 16 : i32
            %mul3A_223 = arith.muli %add3A_65, %mul3A_222 : i32
            %add3A_224 = arith.constant 13 : i32
            %add3A_225 = arith.addi %mul3A_223, %add3A_224 : i32
            %get3A_226 = arith.constant 0 : i32
            %get3A_227 = arith.index_cast %get3A_226 : i32 to index
            %get3A_228 = arith.index_cast %add3A_225 : i32 to index
            %get3A_229 = arith.index_cast %add3A_75 : i32 to index
            %get3A_230 = tpu.vector_load %arg6[%get3A_227, %get3A_228, %get3A_229] {strides = array<i32>} : memref<2x128x128xf32, #tpu.memory_space<vmem>>, vector<1x1x16xf32>,
            %get3A_231 = vector.shape_cast %get3A_230 : vector<1x1x16xf32> to vector<16xf32>
            %add3A_232 = arith.addf %add3A_221, %get3A_231 : vector<16xf32>
            %mul3A_233 = arith.constant 16 : i32
            %mul3A_234 = arith.muli %add3A_65, %mul3A_233 : i32
            %add3A_235 = arith.constant 14 : i32
            %add3A_236 = arith.addi %mul3A_234, %add3A_235 : i32
            %get3A_237 = arith.constant 0 : i32
            %get3A_238 = arith.index_cast %get3A_237 : i32 to index
            %get3A_239 = arith.index_cast %add3A_236 : i32 to index
            %get3A_240 = arith.index_cast %add3A_75 : i32 to index
            %get3A_241 = tpu.vector_load %arg6[%get3A_238, %get3A_239, %get3A_240] {strides = array<i32>} : memref<2x128x128xf32, #tpu.memory_space<vmem>>, vector<1x1x16xf32>,
            %get3A_242 = vector.shape_cast %get3A_241 : vector<1x1x16xf32> to vector<16xf32>
            %add3A_243 = arith.addf %add3A_232, %get3A_242 : vector<16xf32>
            %mul3A_244 = arith.constant 16 : i32
            %mul3A_245 = arith.muli %add3A_65, %mul3A_244 : i32
            %add3A_246 = arith.constant 15 : i32
            %add3A_247 = arith.addi %mul3A_245, %add3A_246 : i32
            %get3A_248 = arith.constant 0 : i32
            %get3A_249 = arith.index_cast %get3A_248 : i32 to index
            %get3A_250 = arith.index_cast %add3A_247 : i32 to index
            %get3A_251 = arith.index_cast %add3A_75 : i32 to index
            %get3A_252 = tpu.vector_load %arg6[%get3A_249, %get3A_250, %get3A_251] {strides = array<i32>} : memref<2x128x128xf32, #tpu.memory_space<vmem>>, vector<1x1x16xf32>,
            %get3A_253 = vector.shape_cast %get3A_252 : vector<1x1x16xf32> to vector<16xf32>
            %add3A_254 = arith.addf %add3A_243, %get3A_253 : vector<16xf32>
            %swap3A = arith.index_cast %add3A_65 : i32 to index
            %swap3A_255 = arith.index_cast %add3A_75 : i32 to index
            %swap3A_256 = tpu.vector_load %arg7[%swap3A, %swap3A_255] {strides = array<i32>} : memref<8x128xf32, #tpu.memory_space<vmem>>, vector<1x16xf32>,
            %swap3A_257 = vector.shape_cast %swap3A_256 : vector<1x16xf32> to vector<16xf32>
            %swap3A_258 = vector.shape_cast %add3A_254 : vector<16xf32> to vector<1x16xf32>
            tpu.vector_store %arg7[%swap3A, %swap3A_255], %swap3A_258 {strides = array<i32>} : memref<8x128xf32, #tpu.memory_space<vmem>>, vector<1x16xf32>,
          }
          %scan3A_70 = arith.constant 8 : i32
        }
        %scan3A_60 = arith.constant 8 : i32
      } else {
      }
      %eq3A_37 = arith.constant 1 : i32
      %eq3A_38 = arith.cmpi eq, %rem3A_23, %eq3A_37 : i32
      %convert_element_type3A_39 = arith.extui %eq3A_38 : i1 to i32
      %cond3A_40 = arith.constant 0 : i32
      %cond3A_41 = arith.cmpi ne, %convert_element_type3A_39, %cond3A_40 : i32
      scf.if %cond3A_41 {
        %dma_wait3A = arith.constant 1 : i32
        %dma_wait3A_42 = arith.constant 0 : i32
        %dma_wait3A_43 = arith.constant 0 : i32
        %dma_wait3A_44 = tpu.memref_slice %arg6[%dma_wait3A, %dma_wait3A_42, %dma_wait3A_43] : memref<2x128x128xf32, #tpu.memory_space<vmem>> -> memref<1x128x128xf32, #tpu.memory_space<vmem>>
        %dma_wait3A_45 = tpu.memref_squeeze %dma_wait3A_44 : memref<1x128x128xf32, #tpu.memory_space<vmem>> -> memref<128x128xf32, #tpu.memory_space<vmem>>
        %dma_wait3A_46 = arith.constant 0 : i32
        %dma_wait3A_47 = arith.constant 0 : i32
        %dma_wait3A_48 = tpu.memref_slice %arg2[%dma_wait3A_46, %dma_wait3A_47] : memref<10240x128xf32, #tpu.memory_space<hbm>> -> memref<128x128xf32, #tpu.memory_space<hbm>>
        %dma_wait3A_49 = arith.constant 0 : i32
        %dma_wait3A_50 = arith.constant 0 : i32
        %dma_wait3A_51 = tpu.memref_slice %arg6[%dma_wait3A, %dma_wait3A_49, %dma_wait3A_50] : memref<2x128x128xf32, #tpu.memory_space<vmem>> -> memref<1x128x128xf32, #tpu.memory_space<vmem>>
        %dma_wait3A_52 = tpu.memref_squeeze %dma_wait3A_51 : memref<1x128x128xf32, #tpu.memory_space<vmem>> -> memref<128x128xf32, #tpu.memory_space<vmem>>
        %dma_wait3A_53 = arith.constant 0 : i32
        %dma_wait3A_54 = arith.constant 0 : i32
        %dma_wait3A_55 = tpu.memref_slice %arg2[%dma_wait3A_53, %dma_wait3A_54] : memref<10240x128xf32, #tpu.memory_space<hbm>> -> memref<128x128xf32, #tpu.memory_space<hbm>>
        tpu.wait_dma2 semaphore(%arg9 : memref<!tpu.dma_semaphore, #tpu.memory_space<semaphore_mem>>) src(%dma_wait3A_55 : memref<128x128xf32, #tpu.memory_space<hbm>>) dst(%dma_wait3A_52 : memref<128x128xf32, #tpu.memory_space<vmem>>)
        %scan3A_56 = arith.constant 0 : i32
        %scan3A_57 = arith.constant 8 : i32
        %scan3A_58 = arith.addi %scan3A_56, %scan3A_57 : i32
        %scan3A_59 = arith.constant 1 : i32
        scf.for %scan3A_61 = %scan3A_56 to %scan3A_58 step %scan3A_59  : i32 {
          %mul3A_62 = arith.constant 1 : i32
          %mul3A_63 = arith.muli %scan3A_61, %mul3A_62 : i32
          %add3A_64 = arith.constant 0 : i32
          %add3A_65 = arith.addi %add3A_64, %mul3A_63 : i32
          %scan3A_66 = arith.constant 0 : i32
          %scan3A_67 = arith.constant 8 : i32
          %scan3A_68 = arith.addi %scan3A_66, %scan3A_67 : i32
          %scan3A_69 = arith.constant 1 : i32
          scf.for %scan3A_71 = %scan3A_66 to %scan3A_68 step %scan3A_69  : i32 {
            %mul3A_72 = arith.constant 16 : i32
            %mul3A_73 = arith.muli %scan3A_71, %mul3A_72 : i32
            %add3A_74 = arith.constant 0 : i32
            %add3A_75 = arith.addi %add3A_74, %mul3A_73 : i32
            %get3A = arith.index_cast %add3A_65 : i32 to index
            %get3A_76 = arith.index_cast %add3A_75 : i32 to index
            %get3A_77 = tpu.vector_load %arg7[%get3A, %get3A_76] {strides = array<i32>} : memref<8x128xf32, #tpu.memory_space<vmem>>, vector<1x16xf32>,
            %get3A_78 = vector.shape_cast %get3A_77 : vector<1x16xf32> to vector<16xf32>
            %mul3A_79 = arith.constant 16 : i32
            %mul3A_80 = arith.muli %add3A_65, %mul3A_79 : i32
            %add3A_81 = arith.constant 0 : i32
            %add3A_82 = arith.addi %mul3A_80, %add3A_81 : i32
            %get3A_83 = arith.constant 1 : i32
            %get3A_84 = arith.index_cast %get3A_83 : i32 to index
            %get3A_85 = arith.index_cast %add3A_82 : i32 to index
            %get3A_86 = arith.index_cast %add3A_75 : i32 to index
            %get3A_87 = tpu.vector_load %arg6[%get3A_84, %get3A_85, %get3A_86] {strides = array<i32>} : memref<2x128x128xf32, #tpu.memory_space<vmem>>, vector<1x1x16xf32>,
            %get3A_88 = vector.shape_cast %get3A_87 : vector<1x1x16xf32> to vector<16xf32>
            %add3A_89 = arith.addf %get3A_78, %get3A_88 : vector<16xf32>
            %mul3A_90 = arith.constant 16 : i32
            %mul3A_91 = arith.muli %add3A_65, %mul3A_90 : i32
            %add3A_92 = arith.constant 1 : i32
            %add3A_93 = arith.addi %mul3A_91, %add3A_92 : i32
            %get3A_94 = arith.constant 1 : i32
            %get3A_95 = arith.index_cast %get3A_94 : i32 to index
            %get3A_96 = arith.index_cast %add3A_93 : i32 to index
            %get3A_97 = arith.index_cast %add3A_75 : i32 to index
            %get3A_98 = tpu.vector_load %arg6[%get3A_95, %get3A_96, %get3A_97] {strides = array<i32>} : memref<2x128x128xf32, #tpu.memory_space<vmem>>, vector<1x1x16xf32>,
            %get3A_99 = vector.shape_cast %get3A_98 : vector<1x1x16xf32> to vector<16xf32>
            %add3A_100 = arith.addf %add3A_89, %get3A_99 : vector<16xf32>
            %mul3A_101 = arith.constant 16 : i32
            %mul3A_102 = arith.muli %add3A_65, %mul3A_101 : i32
            %add3A_103 = arith.constant 2 : i32
            %add3A_104 = arith.addi %mul3A_102, %add3A_103 : i32
            %get3A_105 = arith.constant 1 : i32
            %get3A_106 = arith.index_cast %get3A_105 : i32 to index
            %get3A_107 = arith.index_cast %add3A_104 : i32 to index
            %get3A_108 = arith.index_cast %add3A_75 : i32 to index
            %get3A_109 = tpu.vector_load %arg6[%get3A_106, %get3A_107, %get3A_108] {strides = array<i32>} : memref<2x128x128xf32, #tpu.memory_space<vmem>>, vector<1x1x16xf32>,
            %get3A_110 = vector.shape_cast %get3A_109 : vector<1x1x16xf32> to vector<16xf32>
            %add3A_111 = arith.addf %add3A_100, %get3A_110 : vector<16xf32>
            %mul3A_112 = arith.constant 16 : i32
            %mul3A_113 = arith.muli %add3A_65, %mul3A_112 : i32
            %add3A_114 = arith.constant 3 : i32
            %add3A_115 = arith.addi %mul3A_113, %add3A_114 : i32
            %get3A_116 = arith.constant 1 : i32
            %get3A_117 = arith.index_cast %get3A_116 : i32 to index
            %get3A_118 = arith.index_cast %add3A_115 : i32 to index
            %get3A_119 = arith.index_cast %add3A_75 : i32 to index
            %get3A_120 = tpu.vector_load %arg6[%get3A_117, %get3A_118, %get3A_119] {strides = array<i32>} : memref<2x128x128xf32, #tpu.memory_space<vmem>>, vector<1x1x16xf32>,
            %get3A_121 = vector.shape_cast %get3A_120 : vector<1x1x16xf32> to vector<16xf32>
            %add3A_122 = arith.addf %add3A_111, %get3A_121 : vector<16xf32>
            %mul3A_123 = arith.constant 16 : i32
            %mul3A_124 = arith.muli %add3A_65, %mul3A_123 : i32
            %add3A_125 = arith.constant 4 : i32
            %add3A_126 = arith.addi %mul3A_124, %add3A_125 : i32
            %get3A_127 = arith.constant 1 : i32
            %get3A_128 = arith.index_cast %get3A_127 : i32 to index
            %get3A_129 = arith.index_cast %add3A_126 : i32 to index
            %get3A_130 = arith.index_cast %add3A_75 : i32 to index
            %get3A_131 = tpu.vector_load %arg6[%get3A_128, %get3A_129, %get3A_130] {strides = array<i32>} : memref<2x128x128xf32, #tpu.memory_space<vmem>>, vector<1x1x16xf32>,
            %get3A_132 = vector.shape_cast %get3A_131 : vector<1x1x16xf32> to vector<16xf32>
            %add3A_133 = arith.addf %add3A_122, %get3A_132 : vector<16xf32>
            %mul3A_134 = arith.constant 16 : i32
            %mul3A_135 = arith.muli %add3A_65, %mul3A_134 : i32
            %add3A_136 = arith.constant 5 : i32
            %add3A_137 = arith.addi %mul3A_135, %add3A_136 : i32
            %get3A_138 = arith.constant 1 : i32
            %get3A_139 = arith.index_cast %get3A_138 : i32 to index
            %get3A_140 = arith.index_cast %add3A_137 : i32 to index
            %get3A_141 = arith.index_cast %add3A_75 : i32 to index
            %get3A_142 = tpu.vector_load %arg6[%get3A_139, %get3A_140, %get3A_141] {strides = array<i32>} : memref<2x128x128xf32, #tpu.memory_space<vmem>>, vector<1x1x16xf32>,
            %get3A_143 = vector.shape_cast %get3A_142 : vector<1x1x16xf32> to vector<16xf32>
            %add3A_144 = arith.addf %add3A_133, %get3A_143 : vector<16xf32>
            %mul3A_145 = arith.constant 16 : i32
            %mul3A_146 = arith.muli %add3A_65, %mul3A_145 : i32
            %add3A_147 = arith.constant 6 : i32
            %add3A_148 = arith.addi %mul3A_146, %add3A_147 : i32
            %get3A_149 = arith.constant 1 : i32
            %get3A_150 = arith.index_cast %get3A_149 : i32 to index
            %get3A_151 = arith.index_cast %add3A_148 : i32 to index
            %get3A_152 = arith.index_cast %add3A_75 : i32 to index
            %get3A_153 = tpu.vector_load %arg6[%get3A_150, %get3A_151, %get3A_152] {strides = array<i32>} : memref<2x128x128xf32, #tpu.memory_space<vmem>>, vector<1x1x16xf32>,
            %get3A_154 = vector.shape_cast %get3A_153 : vector<1x1x16xf32> to vector<16xf32>
            %add3A_155 = arith.addf %add3A_144, %get3A_154 : vector<16xf32>
            %mul3A_156 = arith.constant 16 : i32
            %mul3A_157 = arith.muli %add3A_65, %mul3A_156 : i32
            %add3A_158 = arith.constant 7 : i32
            %add3A_159 = arith.addi %mul3A_157, %add3A_158 : i32
            %get3A_160 = arith.constant 1 : i32
            %get3A_161 = arith.index_cast %get3A_160 : i32 to index
            %get3A_162 = arith.index_cast %add3A_159 : i32 to index
            %get3A_163 = arith.index_cast %add3A_75 : i32 to index
            %get3A_164 = tpu.vector_load %arg6[%get3A_161, %get3A_162, %get3A_163] {strides = array<i32>} : memref<2x128x128xf32, #tpu.memory_space<vmem>>, vector<1x1x16xf32>,
            %get3A_165 = vector.shape_cast %get3A_164 : vector<1x1x16xf32> to vector<16xf32>
            %add3A_166 = arith.addf %add3A_155, %get3A_165 : vector<16xf32>
            %mul3A_167 = arith.constant 16 : i32
            %mul3A_168 = arith.muli %add3A_65, %mul3A_167 : i32
            %add3A_169 = arith.constant 8 : i32
            %add3A_170 = arith.addi %mul3A_168, %add3A_169 : i32
            %get3A_171 = arith.constant 1 : i32
            %get3A_172 = arith.index_cast %get3A_171 : i32 to index
            %get3A_173 = arith.index_cast %add3A_170 : i32 to index
            %get3A_174 = arith.index_cast %add3A_75 : i32 to index
            %get3A_175 = tpu.vector_load %arg6[%get3A_172, %get3A_173, %get3A_174] {strides = array<i32>} : memref<2x128x128xf32, #tpu.memory_space<vmem>>, vector<1x1x16xf32>,
            %get3A_176 = vector.shape_cast %get3A_175 : vector<1x1x16xf32> to vector<16xf32>
            %add3A_177 = arith.addf %add3A_166, %get3A_176 : vector<16xf32>
            %mul3A_178 = arith.constant 16 : i32
            %mul3A_179 = arith.muli %add3A_65, %mul3A_178 : i32
            %add3A_180 = arith.constant 9 : i32
            %add3A_181 = arith.addi %mul3A_179, %add3A_180 : i32
            %get3A_182 = arith.constant 1 : i32
            %get3A_183 = arith.index_cast %get3A_182 : i32 to index
            %get3A_184 = arith.index_cast %add3A_181 : i32 to index
            %get3A_185 = arith.index_cast %add3A_75 : i32 to index
            %get3A_186 = tpu.vector_load %arg6[%get3A_183, %get3A_184, %get3A_185] {strides = array<i32>} : memref<2x128x128xf32, #tpu.memory_space<vmem>>, vector<1x1x16xf32>,
            %get3A_187 = vector.shape_cast %get3A_186 : vector<1x1x16xf32> to vector<16xf32>
            %add3A_188 = arith.addf %add3A_177, %get3A_187 : vector<16xf32>
            %mul3A_189 = arith.constant 16 : i32
            %mul3A_190 = arith.muli %add3A_65, %mul3A_189 : i32
            %add3A_191 = arith.constant 10 : i32
            %add3A_192 = arith.addi %mul3A_190, %add3A_191 : i32
            %get3A_193 = arith.constant 1 : i32
            %get3A_194 = arith.index_cast %get3A_193 : i32 to index
            %get3A_195 = arith.index_cast %add3A_192 : i32 to index
            %get3A_196 = arith.index_cast %add3A_75 : i32 to index
            %get3A_197 = tpu.vector_load %arg6[%get3A_194, %get3A_195, %get3A_196] {strides = array<i32>} : memref<2x128x128xf32, #tpu.memory_space<vmem>>, vector<1x1x16xf32>,
            %get3A_198 = vector.shape_cast %get3A_197 : vector<1x1x16xf32> to vector<16xf32>
            %add3A_199 = arith.addf %add3A_188, %get3A_198 : vector<16xf32>
            %mul3A_200 = arith.constant 16 : i32
            %mul3A_201 = arith.muli %add3A_65, %mul3A_200 : i32
            %add3A_202 = arith.constant 11 : i32
            %add3A_203 = arith.addi %mul3A_201, %add3A_202 : i32
            %get3A_204 = arith.constant 1 : i32
            %get3A_205 = arith.index_cast %get3A_204 : i32 to index
            %get3A_206 = arith.index_cast %add3A_203 : i32 to index
            %get3A_207 = arith.index_cast %add3A_75 : i32 to index
            %get3A_208 = tpu.vector_load %arg6[%get3A_205, %get3A_206, %get3A_207] {strides = array<i32>} : memref<2x128x128xf32, #tpu.memory_space<vmem>>, vector<1x1x16xf32>,
            %get3A_209 = vector.shape_cast %get3A_208 : vector<1x1x16xf32> to vector<16xf32>
            %add3A_210 = arith.addf %add3A_199, %get3A_209 : vector<16xf32>
            %mul3A_211 = arith.constant 16 : i32
            %mul3A_212 = arith.muli %add3A_65, %mul3A_211 : i32
            %add3A_213 = arith.constant 12 : i32
            %add3A_214 = arith.addi %mul3A_212, %add3A_213 : i32
            %get3A_215 = arith.constant 1 : i32
            %get3A_216 = arith.index_cast %get3A_215 : i32 to index
            %get3A_217 = arith.index_cast %add3A_214 : i32 to index
            %get3A_218 = arith.index_cast %add3A_75 : i32 to index
            %get3A_219 = tpu.vector_load %arg6[%get3A_216, %get3A_217, %get3A_218] {strides = array<i32>} : memref<2x128x128xf32, #tpu.memory_space<vmem>>, vector<1x1x16xf32>,
            %get3A_220 = vector.shape_cast %get3A_219 : vector<1x1x16xf32> to vector<16xf32>
            %add3A_221 = arith.addf %add3A_210, %get3A_220 : vector<16xf32>
            %mul3A_222 = arith.constant 16 : i32
            %mul3A_223 = arith.muli %add3A_65, %mul3A_222 : i32
            %add3A_224 = arith.constant 13 : i32
            %add3A_225 = arith.addi %mul3A_223, %add3A_224 : i32
            %get3A_226 = arith.constant 1 : i32
            %get3A_227 = arith.index_cast %get3A_226 : i32 to index
            %get3A_228 = arith.index_cast %add3A_225 : i32 to index
            %get3A_229 = arith.index_cast %add3A_75 : i32 to index
            %get3A_230 = tpu.vector_load %arg6[%get3A_227, %get3A_228, %get3A_229] {strides = array<i32>} : memref<2x128x128xf32, #tpu.memory_space<vmem>>, vector<1x1x16xf32>,
            %get3A_231 = vector.shape_cast %get3A_230 : vector<1x1x16xf32> to vector<16xf32>
            %add3A_232 = arith.addf %add3A_221, %get3A_231 : vector<16xf32>
            %mul3A_233 = arith.constant 16 : i32
            %mul3A_234 = arith.muli %add3A_65, %mul3A_233 : i32
            %add3A_235 = arith.constant 14 : i32
            %add3A_236 = arith.addi %mul3A_234, %add3A_235 : i32
            %get3A_237 = arith.constant 1 : i32
            %get3A_238 = arith.index_cast %get3A_237 : i32 to index
            %get3A_239 = arith.index_cast %add3A_236 : i32 to index
            %get3A_240 = arith.index_cast %add3A_75 : i32 to index
            %get3A_241 = tpu.vector_load %arg6[%get3A_238, %get3A_239, %get3A_240] {strides = array<i32>} : memref<2x128x128xf32, #tpu.memory_space<vmem>>, vector<1x1x16xf32>,
            %get3A_242 = vector.shape_cast %get3A_241 : vector<1x1x16xf32> to vector<16xf32>
            %add3A_243 = arith.addf %add3A_232, %get3A_242 : vector<16xf32>
            %mul3A_244 = arith.constant 16 : i32
            %mul3A_245 = arith.muli %add3A_65, %mul3A_244 : i32
            %add3A_246 = arith.constant 15 : i32
            %add3A_247 = arith.addi %mul3A_245, %add3A_246 : i32
            %get3A_248 = arith.constant 1 : i32
            %get3A_249 = arith.index_cast %get3A_248 : i32 to index
            %get3A_250 = arith.index_cast %add3A_247 : i32 to index
            %get3A_251 = arith.index_cast %add3A_75 : i32 to index
            %get3A_252 = tpu.vector_load %arg6[%get3A_249, %get3A_250, %get3A_251] {strides = array<i32>} : memref<2x128x128xf32, #tpu.memory_space<vmem>>, vector<1x1x16xf32>,
            %get3A_253 = vector.shape_cast %get3A_252 : vector<1x1x16xf32> to vector<16xf32>
            %add3A_254 = arith.addf %add3A_243, %get3A_253 : vector<16xf32>
            %swap3A = arith.index_cast %add3A_65 : i32 to index
            %swap3A_255 = arith.index_cast %add3A_75 : i32 to index
            %swap3A_256 = tpu.vector_load %arg7[%swap3A, %swap3A_255] {strides = array<i32>} : memref<8x128xf32, #tpu.memory_space<vmem>>, vector<1x16xf32>,
            %swap3A_257 = vector.shape_cast %swap3A_256 : vector<1x16xf32> to vector<16xf32>
            %swap3A_258 = vector.shape_cast %add3A_254 : vector<16xf32> to vector<1x16xf32>
            tpu.vector_store %arg7[%swap3A, %swap3A_255], %swap3A_258 {strides = array<i32>} : memref<8x128xf32, #tpu.memory_space<vmem>>, vector<1x16xf32>,
          }
          %scan3A_70 = arith.constant 8 : i32
        }
        %scan3A_60 = arith.constant 8 : i32
      } else {
      }
      "tpu.region"() ({
        %run_scoped3A = tpu.sem_alloc : memref<!tpu.dma_semaphore, #tpu.memory_space<semaphore_mem>>
        %dma_start3A_42 = arith.constant 0 : i32
        %dma_start3A_43 = tpu.memref_slice %arg4[%add3A_30, %dma_start3A_42] : memref<10240x128xf32, #tpu.memory_space<hbm>> -> memref<8x128xf32, #tpu.memory_space<hbm>>
        %dma_start3A_44 = arith.constant 0 : i32
        %dma_start3A_45 = tpu.memref_slice %arg4[%add3A_30, %dma_start3A_44] : memref<10240x128xf32, #tpu.memory_space<hbm>> -> memref<8x128xf32, #tpu.memory_space<hbm>>
        tpu.enqueue_dma source(%arg7 : memref<8x128xf32, #tpu.memory_space<vmem>>) target(%dma_start3A_45 : memref<8x128xf32, #tpu.memory_space<hbm>>) target_semaphore(%run_scoped3A : memref<!tpu.dma_semaphore, #tpu.memory_space<semaphore_mem>>)
        %dma_wait3A = arith.constant 0 : i32
        %dma_wait3A_46 = tpu.memref_slice %arg4[%add3A_30, %dma_wait3A] : memref<10240x128xf32, #tpu.memory_space<hbm>> -> memref<8x128xf32, #tpu.memory_space<hbm>>
        %dma_wait3A_47 = arith.constant 0 : i32
        %dma_wait3A_48 = tpu.memref_slice %arg4[%add3A_30, %dma_wait3A_47] : memref<10240x128xf32, #tpu.memory_space<hbm>> -> memref<8x128xf32, #tpu.memory_space<hbm>>
        tpu.wait_dma2 semaphore(%run_scoped3A : memref<!tpu.dma_semaphore, #tpu.memory_space<semaphore_mem>>) src(%arg7 : memref<8x128xf32, #tpu.memory_space<vmem>>) dst(%dma_wait3A_48 : memref<8x128xf32, #tpu.memory_space<hbm>>)
        tpu.yield
      }) : () -> ()
    }
    %scan3A_17 = arith.constant 40 : i32
    return
  }
}

module attributes {stable_mosaic.version = 14 : i64} {
  func.func @_topk_body(%arg0: i32, %arg1: memref<128x10000xf32, #tpu.memory_space<vmem>>, %arg2: memref<200x128xf32, #tpu.memory_space<vmem>>, %arg3: memref<200x10000xf32, #tpu.memory_space<vmem>>, %arg4: memref<1x1xf32, #tpu.memory_space<vmem>>, %arg5: memref<200x16xf32, #tpu.memory_space<vmem>>, %arg6: memref<200x16xi32, #tpu.memory_space<vmem>>) attributes {dimension_semantics = [#tpu.dimension_semantics<arbitrary>], iteration_bounds = array<i64: 50>, scalar_prefetch = 0 : i64, scratch_operands = 0 : i64, tpu.core_type = #tpu.core_type<tc>, window_params = [{pipeline_mode = #tpu.pipeline_mode<synchronous>, transform_indices = @transform_0, window_bounds = array<i64: 128, 10000>}, {transform_indices = @transform_1, window_bounds = array<i64: 200, 128>}, {transform_indices = @transform_2, window_bounds = array<i64: 200, 10000>}, {pipeline_mode = #tpu.pipeline_mode<synchronous>, transform_indices = @transform_3, window_bounds = array<i64: 1, 1>}, {transform_indices = @transform_4, window_bounds = array<i64: 200, 16>}, {transform_indices = @transform_5, window_bounds = array<i64: 200, 16>}]} {
    %get3A = arith.constant 0 : index
    %get3A_0 = arith.constant 0 : index
    %get3A_1 = vector.load %arg4[%get3A, %get3A_0] : memref<1x1xf32, #tpu.memory_space<vmem>>, vector<1x1xf32>
    %get3A_2 = vector.extract %get3A_1[0, 0] : f32 from vector<1x1xf32>
    %jit3A = arith.constant -5.000000e+00 : f32
    %jit3A_3 = arith.constant 5.000000e+00 : f32
    %max3A = arith.maximumf %jit3A, %get3A_2 : f32
    %min3A = arith.minimumf %jit3A_3, %max3A : f32
    %exp3A = math.exp %min3A : f32
    %get3A_4 = arith.constant 0 : index
    %get3A_5 = arith.constant 0 : index
    %get3A_6 = vector.load %arg2[%get3A_4, %get3A_5] : memref<200x128xf32, #tpu.memory_space<vmem>>, vector<200x128xf32>
    %get3A_7 = arith.constant 0 : index
    %get3A_8 = arith.constant 0 : index
    %get3A_9 = vector.load %arg1[%get3A_7, %get3A_8] : memref<128x10000xf32, #tpu.memory_space<vmem>>, vector<128x10000xf32>
    %dot_general3A = arith.constant dense<0.000000e+00> : vector<200x10000xf32>
    %dot_general3A_10 = tpu.matmul %get3A_6, %get3A_9, %dot_general3A {dimension_numbers = #tpu.dot_dimension_numbers<[1], [0], [0], [1], [0, 0, 1, 1], [], []>, transpose_lhs_hint = false} : vector<200x128xf32>, vector<128x10000xf32>, vector<200x10000xf32> -> vector<200x10000xf32>
    %mul3A = arith.mulf %get3A_6, %get3A_6 : vector<200x128xf32>
    %reduce_sum3A = arith.constant dense<0.000000e+00> : vector<200xf32>
    %reduce_sum3A_11 = vector.multi_reduction <add>, %mul3A, %reduce_sum3A [1] : vector<200x128xf32> to vector<200xf32>
    %mul3A_12 = arith.mulf %get3A_9, %get3A_9 : vector<128x10000xf32>
    %reduce_sum3A_13 = arith.constant dense<0.000000e+00> : vector<10000xf32>
    %reduce_sum3A_14 = vector.multi_reduction <add>, %mul3A_12, %reduce_sum3A_13 [0] : vector<128x10000xf32> to vector<10000xf32>
    %broadcast_in_dim3A = vector.shape_cast %reduce_sum3A_11 : vector<200xf32> to vector<200x1xf32>
    %broadcast_in_dim3A_15 = vector.shape_cast %reduce_sum3A_14 : vector<10000xf32> to vector<1x10000xf32>
    %add3A = vector.broadcast %broadcast_in_dim3A : vector<200x1xf32> to vector<200x10000xf32>
    %add3A_16 = vector.broadcast %broadcast_in_dim3A_15 : vector<1x10000xf32> to vector<200x10000xf32>
    %add3A_17 = arith.addf %add3A, %add3A_16 : vector<200x10000xf32>
    %mul3A_18 = arith.constant 2.000000e+00 : f32
    %mul3A_19 = vector.broadcast %mul3A_18 : f32 to vector<200x10000xf32>
    %mul3A_20 = arith.mulf %mul3A_19, %dot_general3A_10 : vector<200x10000xf32>
    %sub3A = arith.subf %add3A_17, %mul3A_20 : vector<200x10000xf32>
    %neg3A = arith.constant 0.000000e+00 : f32
    %neg3A_21 = vector.broadcast %neg3A : f32 to vector<200x10000xf32>
    %neg3A_22 = arith.subf %neg3A_21, %sub3A : vector<200x10000xf32>
    %mul3A_23 = vector.broadcast %exp3A : f32 to vector<200x10000xf32>
    %mul3A_24 = arith.mulf %neg3A_22, %mul3A_23 : vector<200x10000xf32>
    %get3A_25 = arith.constant 0 : index
    %get3A_26 = arith.constant 0 : index
    %get3A_27 = vector.load %arg3[%get3A_25, %get3A_26] : memref<200x10000xf32, #tpu.memory_space<vmem>>, vector<200x10000xf32>
    %sub3A_28 = arith.subf %mul3A_24, %get3A_27 : vector<200x10000xf32>
    %iota3A = tpu.iota {dimensions = array<i32: 1>} : vector<200x10000xi32>
    %iota3A_29 = tpu.iota {dimensions = array<i32: 1>} : vector<200x16xi32>
    %broadcast_in_dim3A_30 = arith.constant 0.000000e+00 : f32
    %broadcast_in_dim3A_31 = vector.broadcast %broadcast_in_dim3A_30 : f32 to vector<200x16xf32>
    %broadcast_in_dim3A_32 = arith.constant 0 : i32
    %broadcast_in_dim3A_33 = vector.broadcast %broadcast_in_dim3A_32 : i32 to vector<200x16xi32>
    %reduce_max3A = arith.constant dense<0xFF800000> : vector<200xf32>
    %reduce_max3A_34 = vector.multi_reduction <maximumf>, %sub3A_28, %reduce_max3A [1] : vector<200x10000xf32> to vector<200xf32>
    %broadcast_in_dim3A_35 = vector.shape_cast %reduce_max3A_34 : vector<200xf32> to vector<200x1xf32>
    %ge3A = vector.broadcast %broadcast_in_dim3A_35 : vector<200x1xf32> to vector<200x10000xf32>
    %ge3A_36 = arith.cmpf oge, %sub3A_28, %ge3A : vector<200x10000xf32>
    %jit3A_37 = arith.constant 10000 : i32
    %broadcast_in_dim3A_38 = vector.broadcast %jit3A_37 : i32 to vector<200x10000xi32>
    %select_n3A = arith.select %ge3A_36, %iota3A, %broadcast_in_dim3A_38 : vector<200x10000xi1>, vector<200x10000xi32>
    %reduce_min3A = arith.constant dense<2147483647> : vector<200xi32>
    %reduce_min3A_39 = vector.multi_reduction <minsi>, %select_n3A, %reduce_min3A [1] : vector<200x10000xi32> to vector<200xi32>
    %eq3A = arith.constant 0 : i32
    %eq3A_40 = vector.broadcast %eq3A : i32 to vector<200x16xi32>
    %eq3A_41 = arith.cmpi eq, %iota3A_29, %eq3A_40 : vector<200x16xi32>
    %broadcast_in_dim3A_42 = vector.shape_cast %reduce_max3A_34 : vector<200xf32> to vector<200x1xf32>
    %broadcast_in_dim3A_43 = vector.shape_cast %broadcast_in_dim3A_42 : vector<200x1xf32> to vector<200x1xf32>
    %broadcast_in_dim3A_44 = vector.broadcast %broadcast_in_dim3A_43 : vector<200x1xf32> to vector<200x16xf32>
    %select_n3A_45 = arith.select %eq3A_41, %broadcast_in_dim3A_44, %broadcast_in_dim3A_31 : vector<200x16xi1>, vector<200x16xf32>
    %eq3A_46 = arith.constant 0 : i32
    %eq3A_47 = vector.broadcast %eq3A_46 : i32 to vector<200x16xi32>
    %eq3A_48 = arith.cmpi eq, %iota3A_29, %eq3A_47 : vector<200x16xi32>
    %broadcast_in_dim3A_49 = vector.shape_cast %reduce_min3A_39 : vector<200xi32> to vector<200x1xi32>
    %broadcast_in_dim3A_50 = vector.shape_cast %broadcast_in_dim3A_49 : vector<200x1xi32> to vector<200x1xi32>
    %broadcast_in_dim3A_51 = vector.broadcast %broadcast_in_dim3A_50 : vector<200x1xi32> to vector<200x16xi32>
    %select_n3A_52 = arith.select %eq3A_48, %broadcast_in_dim3A_51, %broadcast_in_dim3A_33 : vector<200x16xi1>, vector<200x16xi32>
    %jit3A_53 = arith.constant 0xFF800000 : f32
    %broadcast_in_dim3A_54 = vector.broadcast %jit3A_53 : f32 to vector<200x10000xf32>
    %select_n3A_55 = arith.select %ge3A_36, %broadcast_in_dim3A_54, %sub3A_28 : vector<200x10000xi1>, vector<200x10000xf32>
    %reduce_max3A_56 = arith.constant dense<0xFF800000> : vector<200xf32>
    %reduce_max3A_57 = vector.multi_reduction <maximumf>, %select_n3A_55, %reduce_max3A_56 [1] : vector<200x10000xf32> to vector<200xf32>
    %broadcast_in_dim3A_58 = vector.shape_cast %reduce_max3A_57 : vector<200xf32> to vector<200x1xf32>
    %ge3A_59 = vector.broadcast %broadcast_in_dim3A_58 : vector<200x1xf32> to vector<200x10000xf32>
    %ge3A_60 = arith.cmpf oge, %select_n3A_55, %ge3A_59 : vector<200x10000xf32>
    %jit3A_61 = arith.constant 10000 : i32
    %broadcast_in_dim3A_62 = vector.broadcast %jit3A_61 : i32 to vector<200x10000xi32>
    %select_n3A_63 = arith.select %ge3A_60, %iota3A, %broadcast_in_dim3A_62 : vector<200x10000xi1>, vector<200x10000xi32>
    %reduce_min3A_64 = arith.constant dense<2147483647> : vector<200xi32>
    %reduce_min3A_65 = vector.multi_reduction <minsi>, %select_n3A_63, %reduce_min3A_64 [1] : vector<200x10000xi32> to vector<200xi32>
    %eq3A_66 = arith.constant 1 : i32
    %eq3A_67 = vector.broadcast %eq3A_66 : i32 to vector<200x16xi32>
    %eq3A_68 = arith.cmpi eq, %iota3A_29, %eq3A_67 : vector<200x16xi32>
    %broadcast_in_dim3A_69 = vector.shape_cast %reduce_max3A_57 : vector<200xf32> to vector<200x1xf32>
    %broadcast_in_dim3A_70 = vector.shape_cast %broadcast_in_dim3A_69 : vector<200x1xf32> to vector<200x1xf32>
    %broadcast_in_dim3A_71 = vector.broadcast %broadcast_in_dim3A_70 : vector<200x1xf32> to vector<200x16xf32>
    %select_n3A_72 = arith.select %eq3A_68, %broadcast_in_dim3A_71, %select_n3A_45 : vector<200x16xi1>, vector<200x16xf32>
    %eq3A_73 = arith.constant 1 : i32
    %eq3A_74 = vector.broadcast %eq3A_73 : i32 to vector<200x16xi32>
    %eq3A_75 = arith.cmpi eq, %iota3A_29, %eq3A_74 : vector<200x16xi32>
    %broadcast_in_dim3A_76 = vector.shape_cast %reduce_min3A_65 : vector<200xi32> to vector<200x1xi32>
    %broadcast_in_dim3A_77 = vector.shape_cast %broadcast_in_dim3A_76 : vector<200x1xi32> to vector<200x1xi32>
    %broadcast_in_dim3A_78 = vector.broadcast %broadcast_in_dim3A_77 : vector<200x1xi32> to vector<200x16xi32>
    %select_n3A_79 = arith.select %eq3A_75, %broadcast_in_dim3A_78, %select_n3A_52 : vector<200x16xi1>, vector<200x16xi32>
    %jit3A_80 = arith.constant 0xFF800000 : f32
    %broadcast_in_dim3A_81 = vector.broadcast %jit3A_80 : f32 to vector<200x10000xf32>
    %select_n3A_82 = arith.select %ge3A_60, %broadcast_in_dim3A_81, %select_n3A_55 : vector<200x10000xi1>, vector<200x10000xf32>
    %reduce_max3A_83 = arith.constant dense<0xFF800000> : vector<200xf32>
    %reduce_max3A_84 = vector.multi_reduction <maximumf>, %select_n3A_82, %reduce_max3A_83 [1] : vector<200x10000xf32> to vector<200xf32>
    %broadcast_in_dim3A_85 = vector.shape_cast %reduce_max3A_84 : vector<200xf32> to vector<200x1xf32>
    %ge3A_86 = vector.broadcast %broadcast_in_dim3A_85 : vector<200x1xf32> to vector<200x10000xf32>
    %ge3A_87 = arith.cmpf oge, %select_n3A_82, %ge3A_86 : vector<200x10000xf32>
    %jit3A_88 = arith.constant 10000 : i32
    %broadcast_in_dim3A_89 = vector.broadcast %jit3A_88 : i32 to vector<200x10000xi32>
    %select_n3A_90 = arith.select %ge3A_87, %iota3A, %broadcast_in_dim3A_89 : vector<200x10000xi1>, vector<200x10000xi32>
    %reduce_min3A_91 = arith.constant dense<2147483647> : vector<200xi32>
    %reduce_min3A_92 = vector.multi_reduction <minsi>, %select_n3A_90, %reduce_min3A_91 [1] : vector<200x10000xi32> to vector<200xi32>
    %eq3A_93 = arith.constant 2 : i32
    %eq3A_94 = vector.broadcast %eq3A_93 : i32 to vector<200x16xi32>
    %eq3A_95 = arith.cmpi eq, %iota3A_29, %eq3A_94 : vector<200x16xi32>
    %broadcast_in_dim3A_96 = vector.shape_cast %reduce_max3A_84 : vector<200xf32> to vector<200x1xf32>
    %broadcast_in_dim3A_97 = vector.shape_cast %broadcast_in_dim3A_96 : vector<200x1xf32> to vector<200x1xf32>
    %broadcast_in_dim3A_98 = vector.broadcast %broadcast_in_dim3A_97 : vector<200x1xf32> to vector<200x16xf32>
    %select_n3A_99 = arith.select %eq3A_95, %broadcast_in_dim3A_98, %select_n3A_72 : vector<200x16xi1>, vector<200x16xf32>
    %eq3A_100 = arith.constant 2 : i32
    %eq3A_101 = vector.broadcast %eq3A_100 : i32 to vector<200x16xi32>
    %eq3A_102 = arith.cmpi eq, %iota3A_29, %eq3A_101 : vector<200x16xi32>
    %broadcast_in_dim3A_103 = vector.shape_cast %reduce_min3A_92 : vector<200xi32> to vector<200x1xi32>
    %broadcast_in_dim3A_104 = vector.shape_cast %broadcast_in_dim3A_103 : vector<200x1xi32> to vector<200x1xi32>
    %broadcast_in_dim3A_105 = vector.broadcast %broadcast_in_dim3A_104 : vector<200x1xi32> to vector<200x16xi32>
    %select_n3A_106 = arith.select %eq3A_102, %broadcast_in_dim3A_105, %select_n3A_79 : vector<200x16xi1>, vector<200x16xi32>
    %jit3A_107 = arith.constant 0xFF800000 : f32
    %broadcast_in_dim3A_108 = vector.broadcast %jit3A_107 : f32 to vector<200x10000xf32>
    %select_n3A_109 = arith.select %ge3A_87, %broadcast_in_dim3A_108, %select_n3A_82 : vector<200x10000xi1>, vector<200x10000xf32>
    %reduce_max3A_110 = arith.constant dense<0xFF800000> : vector<200xf32>
    %reduce_max3A_111 = vector.multi_reduction <maximumf>, %select_n3A_109, %reduce_max3A_110 [1] : vector<200x10000xf32> to vector<200xf32>
    %broadcast_in_dim3A_112 = vector.shape_cast %reduce_max3A_111 : vector<200xf32> to vector<200x1xf32>
    %ge3A_113 = vector.broadcast %broadcast_in_dim3A_112 : vector<200x1xf32> to vector<200x10000xf32>
    %ge3A_114 = arith.cmpf oge, %select_n3A_109, %ge3A_113 : vector<200x10000xf32>
    %jit3A_115 = arith.constant 10000 : i32
    %broadcast_in_dim3A_116 = vector.broadcast %jit3A_115 : i32 to vector<200x10000xi32>
    %select_n3A_117 = arith.select %ge3A_114, %iota3A, %broadcast_in_dim3A_116 : vector<200x10000xi1>, vector<200x10000xi32>
    %reduce_min3A_118 = arith.constant dense<2147483647> : vector<200xi32>
    %reduce_min3A_119 = vector.multi_reduction <minsi>, %select_n3A_117, %reduce_min3A_118 [1] : vector<200x10000xi32> to vector<200xi32>
    %eq3A_120 = arith.constant 3 : i32
    %eq3A_121 = vector.broadcast %eq3A_120 : i32 to vector<200x16xi32>
    %eq3A_122 = arith.cmpi eq, %iota3A_29, %eq3A_121 : vector<200x16xi32>
    %broadcast_in_dim3A_123 = vector.shape_cast %reduce_max3A_111 : vector<200xf32> to vector<200x1xf32>
    %broadcast_in_dim3A_124 = vector.shape_cast %broadcast_in_dim3A_123 : vector<200x1xf32> to vector<200x1xf32>
    %broadcast_in_dim3A_125 = vector.broadcast %broadcast_in_dim3A_124 : vector<200x1xf32> to vector<200x16xf32>
    %select_n3A_126 = arith.select %eq3A_122, %broadcast_in_dim3A_125, %select_n3A_99 : vector<200x16xi1>, vector<200x16xf32>
    %eq3A_127 = arith.constant 3 : i32
    %eq3A_128 = vector.broadcast %eq3A_127 : i32 to vector<200x16xi32>
    %eq3A_129 = arith.cmpi eq, %iota3A_29, %eq3A_128 : vector<200x16xi32>
    %broadcast_in_dim3A_130 = vector.shape_cast %reduce_min3A_119 : vector<200xi32> to vector<200x1xi32>
    %broadcast_in_dim3A_131 = vector.shape_cast %broadcast_in_dim3A_130 : vector<200x1xi32> to vector<200x1xi32>
    %broadcast_in_dim3A_132 = vector.broadcast %broadcast_in_dim3A_131 : vector<200x1xi32> to vector<200x16xi32>
    %select_n3A_133 = arith.select %eq3A_129, %broadcast_in_dim3A_132, %select_n3A_106 : vector<200x16xi1>, vector<200x16xi32>
    %jit3A_134 = arith.constant 0xFF800000 : f32
    %broadcast_in_dim3A_135 = vector.broadcast %jit3A_134 : f32 to vector<200x10000xf32>
    %select_n3A_136 = arith.select %ge3A_114, %broadcast_in_dim3A_135, %select_n3A_109 : vector<200x10000xi1>, vector<200x10000xf32>
    %reduce_max3A_137 = arith.constant dense<0xFF800000> : vector<200xf32>
    %reduce_max3A_138 = vector.multi_reduction <maximumf>, %select_n3A_136, %reduce_max3A_137 [1] : vector<200x10000xf32> to vector<200xf32>
    %broadcast_in_dim3A_139 = vector.shape_cast %reduce_max3A_138 : vector<200xf32> to vector<200x1xf32>
    %ge3A_140 = vector.broadcast %broadcast_in_dim3A_139 : vector<200x1xf32> to vector<200x10000xf32>
    %ge3A_141 = arith.cmpf oge, %select_n3A_136, %ge3A_140 : vector<200x10000xf32>
    %jit3A_142 = arith.constant 10000 : i32
    %broadcast_in_dim3A_143 = vector.broadcast %jit3A_142 : i32 to vector<200x10000xi32>
    %select_n3A_144 = arith.select %ge3A_141, %iota3A, %broadcast_in_dim3A_143 : vector<200x10000xi1>, vector<200x10000xi32>
    %reduce_min3A_145 = arith.constant dense<2147483647> : vector<200xi32>
    %reduce_min3A_146 = vector.multi_reduction <minsi>, %select_n3A_144, %reduce_min3A_145 [1] : vector<200x10000xi32> to vector<200xi32>
    %eq3A_147 = arith.constant 4 : i32
    %eq3A_148 = vector.broadcast %eq3A_147 : i32 to vector<200x16xi32>
    %eq3A_149 = arith.cmpi eq, %iota3A_29, %eq3A_148 : vector<200x16xi32>
    %broadcast_in_dim3A_150 = vector.shape_cast %reduce_max3A_138 : vector<200xf32> to vector<200x1xf32>
    %broadcast_in_dim3A_151 = vector.shape_cast %broadcast_in_dim3A_150 : vector<200x1xf32> to vector<200x1xf32>
    %broadcast_in_dim3A_152 = vector.broadcast %broadcast_in_dim3A_151 : vector<200x1xf32> to vector<200x16xf32>
    %select_n3A_153 = arith.select %eq3A_149, %broadcast_in_dim3A_152, %select_n3A_126 : vector<200x16xi1>, vector<200x16xf32>
    %eq3A_154 = arith.constant 4 : i32
    %eq3A_155 = vector.broadcast %eq3A_154 : i32 to vector<200x16xi32>
    %eq3A_156 = arith.cmpi eq, %iota3A_29, %eq3A_155 : vector<200x16xi32>
    %broadcast_in_dim3A_157 = vector.shape_cast %reduce_min3A_146 : vector<200xi32> to vector<200x1xi32>
    %broadcast_in_dim3A_158 = vector.shape_cast %broadcast_in_dim3A_157 : vector<200x1xi32> to vector<200x1xi32>
    %broadcast_in_dim3A_159 = vector.broadcast %broadcast_in_dim3A_158 : vector<200x1xi32> to vector<200x16xi32>
    %select_n3A_160 = arith.select %eq3A_156, %broadcast_in_dim3A_159, %select_n3A_133 : vector<200x16xi1>, vector<200x16xi32>
    %jit3A_161 = arith.constant 0xFF800000 : f32
    %broadcast_in_dim3A_162 = vector.broadcast %jit3A_161 : f32 to vector<200x10000xf32>
    %select_n3A_163 = arith.select %ge3A_141, %broadcast_in_dim3A_162, %select_n3A_136 : vector<200x10000xi1>, vector<200x10000xf32>
    %reduce_max3A_164 = arith.constant dense<0xFF800000> : vector<200xf32>
    %reduce_max3A_165 = vector.multi_reduction <maximumf>, %select_n3A_163, %reduce_max3A_164 [1] : vector<200x10000xf32> to vector<200xf32>
    %broadcast_in_dim3A_166 = vector.shape_cast %reduce_max3A_165 : vector<200xf32> to vector<200x1xf32>
    %ge3A_167 = vector.broadcast %broadcast_in_dim3A_166 : vector<200x1xf32> to vector<200x10000xf32>
    %ge3A_168 = arith.cmpf oge, %select_n3A_163, %ge3A_167 : vector<200x10000xf32>
    %jit3A_169 = arith.constant 10000 : i32
    %broadcast_in_dim3A_170 = vector.broadcast %jit3A_169 : i32 to vector<200x10000xi32>
    %select_n3A_171 = arith.select %ge3A_168, %iota3A, %broadcast_in_dim3A_170 : vector<200x10000xi1>, vector<200x10000xi32>
    %reduce_min3A_172 = arith.constant dense<2147483647> : vector<200xi32>
    %reduce_min3A_173 = vector.multi_reduction <minsi>, %select_n3A_171, %reduce_min3A_172 [1] : vector<200x10000xi32> to vector<200xi32>
    %eq3A_174 = arith.constant 5 : i32
    %eq3A_175 = vector.broadcast %eq3A_174 : i32 to vector<200x16xi32>
    %eq3A_176 = arith.cmpi eq, %iota3A_29, %eq3A_175 : vector<200x16xi32>
    %broadcast_in_dim3A_177 = vector.shape_cast %reduce_max3A_165 : vector<200xf32> to vector<200x1xf32>
    %broadcast_in_dim3A_178 = vector.shape_cast %broadcast_in_dim3A_177 : vector<200x1xf32> to vector<200x1xf32>
    %broadcast_in_dim3A_179 = vector.broadcast %broadcast_in_dim3A_178 : vector<200x1xf32> to vector<200x16xf32>
    %select_n3A_180 = arith.select %eq3A_176, %broadcast_in_dim3A_179, %select_n3A_153 : vector<200x16xi1>, vector<200x16xf32>
    %eq3A_181 = arith.constant 5 : i32
    %eq3A_182 = vector.broadcast %eq3A_181 : i32 to vector<200x16xi32>
    %eq3A_183 = arith.cmpi eq, %iota3A_29, %eq3A_182 : vector<200x16xi32>
    %broadcast_in_dim3A_184 = vector.shape_cast %reduce_min3A_173 : vector<200xi32> to vector<200x1xi32>
    %broadcast_in_dim3A_185 = vector.shape_cast %broadcast_in_dim3A_184 : vector<200x1xi32> to vector<200x1xi32>
    %broadcast_in_dim3A_186 = vector.broadcast %broadcast_in_dim3A_185 : vector<200x1xi32> to vector<200x16xi32>
    %select_n3A_187 = arith.select %eq3A_183, %broadcast_in_dim3A_186, %select_n3A_160 : vector<200x16xi1>, vector<200x16xi32>
    %jit3A_188 = arith.constant 0xFF800000 : f32
    %broadcast_in_dim3A_189 = vector.broadcast %jit3A_188 : f32 to vector<200x10000xf32>
    %select_n3A_190 = arith.select %ge3A_168, %broadcast_in_dim3A_189, %select_n3A_163 : vector<200x10000xi1>, vector<200x10000xf32>
    %reduce_max3A_191 = arith.constant dense<0xFF800000> : vector<200xf32>
    %reduce_max3A_192 = vector.multi_reduction <maximumf>, %select_n3A_190, %reduce_max3A_191 [1] : vector<200x10000xf32> to vector<200xf32>
    %broadcast_in_dim3A_193 = vector.shape_cast %reduce_max3A_192 : vector<200xf32> to vector<200x1xf32>
    %ge3A_194 = vector.broadcast %broadcast_in_dim3A_193 : vector<200x1xf32> to vector<200x10000xf32>
    %ge3A_195 = arith.cmpf oge, %select_n3A_190, %ge3A_194 : vector<200x10000xf32>
    %jit3A_196 = arith.constant 10000 : i32
    %broadcast_in_dim3A_197 = vector.broadcast %jit3A_196 : i32 to vector<200x10000xi32>
    %select_n3A_198 = arith.select %ge3A_195, %iota3A, %broadcast_in_dim3A_197 : vector<200x10000xi1>, vector<200x10000xi32>
    %reduce_min3A_199 = arith.constant dense<2147483647> : vector<200xi32>
    %reduce_min3A_200 = vector.multi_reduction <minsi>, %select_n3A_198, %reduce_min3A_199 [1] : vector<200x10000xi32> to vector<200xi32>
    %eq3A_201 = arith.constant 6 : i32
    %eq3A_202 = vector.broadcast %eq3A_201 : i32 to vector<200x16xi32>
    %eq3A_203 = arith.cmpi eq, %iota3A_29, %eq3A_202 : vector<200x16xi32>
    %broadcast_in_dim3A_204 = vector.shape_cast %reduce_max3A_192 : vector<200xf32> to vector<200x1xf32>
    %broadcast_in_dim3A_205 = vector.shape_cast %broadcast_in_dim3A_204 : vector<200x1xf32> to vector<200x1xf32>
    %broadcast_in_dim3A_206 = vector.broadcast %broadcast_in_dim3A_205 : vector<200x1xf32> to vector<200x16xf32>
    %select_n3A_207 = arith.select %eq3A_203, %broadcast_in_dim3A_206, %select_n3A_180 : vector<200x16xi1>, vector<200x16xf32>
    %eq3A_208 = arith.constant 6 : i32
    %eq3A_209 = vector.broadcast %eq3A_208 : i32 to vector<200x16xi32>
    %eq3A_210 = arith.cmpi eq, %iota3A_29, %eq3A_209 : vector<200x16xi32>
    %broadcast_in_dim3A_211 = vector.shape_cast %reduce_min3A_200 : vector<200xi32> to vector<200x1xi32>
    %broadcast_in_dim3A_212 = vector.shape_cast %broadcast_in_dim3A_211 : vector<200x1xi32> to vector<200x1xi32>
    %broadcast_in_dim3A_213 = vector.broadcast %broadcast_in_dim3A_212 : vector<200x1xi32> to vector<200x16xi32>
    %select_n3A_214 = arith.select %eq3A_210, %broadcast_in_dim3A_213, %select_n3A_187 : vector<200x16xi1>, vector<200x16xi32>
    %jit3A_215 = arith.constant 0xFF800000 : f32
    %broadcast_in_dim3A_216 = vector.broadcast %jit3A_215 : f32 to vector<200x10000xf32>
    %select_n3A_217 = arith.select %ge3A_195, %broadcast_in_dim3A_216, %select_n3A_190 : vector<200x10000xi1>, vector<200x10000xf32>
    %reduce_max3A_218 = arith.constant dense<0xFF800000> : vector<200xf32>
    %reduce_max3A_219 = vector.multi_reduction <maximumf>, %select_n3A_217, %reduce_max3A_218 [1] : vector<200x10000xf32> to vector<200xf32>
    %broadcast_in_dim3A_220 = vector.shape_cast %reduce_max3A_219 : vector<200xf32> to vector<200x1xf32>
    %ge3A_221 = vector.broadcast %broadcast_in_dim3A_220 : vector<200x1xf32> to vector<200x10000xf32>
    %ge3A_222 = arith.cmpf oge, %select_n3A_217, %ge3A_221 : vector<200x10000xf32>
    %jit3A_223 = arith.constant 10000 : i32
    %broadcast_in_dim3A_224 = vector.broadcast %jit3A_223 : i32 to vector<200x10000xi32>
    %select_n3A_225 = arith.select %ge3A_222, %iota3A, %broadcast_in_dim3A_224 : vector<200x10000xi1>, vector<200x10000xi32>
    %reduce_min3A_226 = arith.constant dense<2147483647> : vector<200xi32>
    %reduce_min3A_227 = vector.multi_reduction <minsi>, %select_n3A_225, %reduce_min3A_226 [1] : vector<200x10000xi32> to vector<200xi32>
    %eq3A_228 = arith.constant 7 : i32
    %eq3A_229 = vector.broadcast %eq3A_228 : i32 to vector<200x16xi32>
    %eq3A_230 = arith.cmpi eq, %iota3A_29, %eq3A_229 : vector<200x16xi32>
    %broadcast_in_dim3A_231 = vector.shape_cast %reduce_max3A_219 : vector<200xf32> to vector<200x1xf32>
    %broadcast_in_dim3A_232 = vector.shape_cast %broadcast_in_dim3A_231 : vector<200x1xf32> to vector<200x1xf32>
    %broadcast_in_dim3A_233 = vector.broadcast %broadcast_in_dim3A_232 : vector<200x1xf32> to vector<200x16xf32>
    %select_n3A_234 = arith.select %eq3A_230, %broadcast_in_dim3A_233, %select_n3A_207 : vector<200x16xi1>, vector<200x16xf32>
    %eq3A_235 = arith.constant 7 : i32
    %eq3A_236 = vector.broadcast %eq3A_235 : i32 to vector<200x16xi32>
    %eq3A_237 = arith.cmpi eq, %iota3A_29, %eq3A_236 : vector<200x16xi32>
    %broadcast_in_dim3A_238 = vector.shape_cast %reduce_min3A_227 : vector<200xi32> to vector<200x1xi32>
    %broadcast_in_dim3A_239 = vector.shape_cast %broadcast_in_dim3A_238 : vector<200x1xi32> to vector<200x1xi32>
    %broadcast_in_dim3A_240 = vector.broadcast %broadcast_in_dim3A_239 : vector<200x1xi32> to vector<200x16xi32>
    %select_n3A_241 = arith.select %eq3A_237, %broadcast_in_dim3A_240, %select_n3A_214 : vector<200x16xi1>, vector<200x16xi32>
    %jit3A_242 = arith.constant 0xFF800000 : f32
    %broadcast_in_dim3A_243 = vector.broadcast %jit3A_242 : f32 to vector<200x10000xf32>
    %select_n3A_244 = arith.select %ge3A_222, %broadcast_in_dim3A_243, %select_n3A_217 : vector<200x10000xi1>, vector<200x10000xf32>
    %reduce_max3A_245 = arith.constant dense<0xFF800000> : vector<200xf32>
    %reduce_max3A_246 = vector.multi_reduction <maximumf>, %select_n3A_244, %reduce_max3A_245 [1] : vector<200x10000xf32> to vector<200xf32>
    %broadcast_in_dim3A_247 = vector.shape_cast %reduce_max3A_246 : vector<200xf32> to vector<200x1xf32>
    %ge3A_248 = vector.broadcast %broadcast_in_dim3A_247 : vector<200x1xf32> to vector<200x10000xf32>
    %ge3A_249 = arith.cmpf oge, %select_n3A_244, %ge3A_248 : vector<200x10000xf32>
    %jit3A_250 = arith.constant 10000 : i32
    %broadcast_in_dim3A_251 = vector.broadcast %jit3A_250 : i32 to vector<200x10000xi32>
    %select_n3A_252 = arith.select %ge3A_249, %iota3A, %broadcast_in_dim3A_251 : vector<200x10000xi1>, vector<200x10000xi32>
    %reduce_min3A_253 = arith.constant dense<2147483647> : vector<200xi32>
    %reduce_min3A_254 = vector.multi_reduction <minsi>, %select_n3A_252, %reduce_min3A_253 [1] : vector<200x10000xi32> to vector<200xi32>
    %eq3A_255 = arith.constant 8 : i32
    %eq3A_256 = vector.broadcast %eq3A_255 : i32 to vector<200x16xi32>
    %eq3A_257 = arith.cmpi eq, %iota3A_29, %eq3A_256 : vector<200x16xi32>
    %broadcast_in_dim3A_258 = vector.shape_cast %reduce_max3A_246 : vector<200xf32> to vector<200x1xf32>
    %broadcast_in_dim3A_259 = vector.shape_cast %broadcast_in_dim3A_258 : vector<200x1xf32> to vector<200x1xf32>
    %broadcast_in_dim3A_260 = vector.broadcast %broadcast_in_dim3A_259 : vector<200x1xf32> to vector<200x16xf32>
    %select_n3A_261 = arith.select %eq3A_257, %broadcast_in_dim3A_260, %select_n3A_234 : vector<200x16xi1>, vector<200x16xf32>
    %eq3A_262 = arith.constant 8 : i32
    %eq3A_263 = vector.broadcast %eq3A_262 : i32 to vector<200x16xi32>
    %eq3A_264 = arith.cmpi eq, %iota3A_29, %eq3A_263 : vector<200x16xi32>
    %broadcast_in_dim3A_265 = vector.shape_cast %reduce_min3A_254 : vector<200xi32> to vector<200x1xi32>
    %broadcast_in_dim3A_266 = vector.shape_cast %broadcast_in_dim3A_265 : vector<200x1xi32> to vector<200x1xi32>
    %broadcast_in_dim3A_267 = vector.broadcast %broadcast_in_dim3A_266 : vector<200x1xi32> to vector<200x16xi32>
    %select_n3A_268 = arith.select %eq3A_264, %broadcast_in_dim3A_267, %select_n3A_241 : vector<200x16xi1>, vector<200x16xi32>
    %jit3A_269 = arith.constant 0xFF800000 : f32
    %broadcast_in_dim3A_270 = vector.broadcast %jit3A_269 : f32 to vector<200x10000xf32>
    %select_n3A_271 = arith.select %ge3A_249, %broadcast_in_dim3A_270, %select_n3A_244 : vector<200x10000xi1>, vector<200x10000xf32>
    %reduce_max3A_272 = arith.constant dense<0xFF800000> : vector<200xf32>
    %reduce_max3A_273 = vector.multi_reduction <maximumf>, %select_n3A_271, %reduce_max3A_272 [1] : vector<200x10000xf32> to vector<200xf32>
    %broadcast_in_dim3A_274 = vector.shape_cast %reduce_max3A_273 : vector<200xf32> to vector<200x1xf32>
    %ge3A_275 = vector.broadcast %broadcast_in_dim3A_274 : vector<200x1xf32> to vector<200x10000xf32>
    %ge3A_276 = arith.cmpf oge, %select_n3A_271, %ge3A_275 : vector<200x10000xf32>
    %jit3A_277 = arith.constant 10000 : i32
    %broadcast_in_dim3A_278 = vector.broadcast %jit3A_277 : i32 to vector<200x10000xi32>
    %select_n3A_279 = arith.select %ge3A_276, %iota3A, %broadcast_in_dim3A_278 : vector<200x10000xi1>, vector<200x10000xi32>
    %reduce_min3A_280 = arith.constant dense<2147483647> : vector<200xi32>
    %reduce_min3A_281 = vector.multi_reduction <minsi>, %select_n3A_279, %reduce_min3A_280 [1] : vector<200x10000xi32> to vector<200xi32>
    %eq3A_282 = arith.constant 9 : i32
    %eq3A_283 = vector.broadcast %eq3A_282 : i32 to vector<200x16xi32>
    %eq3A_284 = arith.cmpi eq, %iota3A_29, %eq3A_283 : vector<200x16xi32>
    %broadcast_in_dim3A_285 = vector.shape_cast %reduce_max3A_273 : vector<200xf32> to vector<200x1xf32>
    %broadcast_in_dim3A_286 = vector.shape_cast %broadcast_in_dim3A_285 : vector<200x1xf32> to vector<200x1xf32>
    %broadcast_in_dim3A_287 = vector.broadcast %broadcast_in_dim3A_286 : vector<200x1xf32> to vector<200x16xf32>
    %select_n3A_288 = arith.select %eq3A_284, %broadcast_in_dim3A_287, %select_n3A_261 : vector<200x16xi1>, vector<200x16xf32>
    %eq3A_289 = arith.constant 9 : i32
    %eq3A_290 = vector.broadcast %eq3A_289 : i32 to vector<200x16xi32>
    %eq3A_291 = arith.cmpi eq, %iota3A_29, %eq3A_290 : vector<200x16xi32>
    %broadcast_in_dim3A_292 = vector.shape_cast %reduce_min3A_281 : vector<200xi32> to vector<200x1xi32>
    %broadcast_in_dim3A_293 = vector.shape_cast %broadcast_in_dim3A_292 : vector<200x1xi32> to vector<200x1xi32>
    %broadcast_in_dim3A_294 = vector.broadcast %broadcast_in_dim3A_293 : vector<200x1xi32> to vector<200x16xi32>
    %select_n3A_295 = arith.select %eq3A_291, %broadcast_in_dim3A_294, %select_n3A_268 : vector<200x16xi1>, vector<200x16xi32>
    %jit3A_296 = arith.constant 0xFF800000 : f32
    %broadcast_in_dim3A_297 = vector.broadcast %jit3A_296 : f32 to vector<200x10000xf32>
    %select_n3A_298 = arith.select %ge3A_276, %broadcast_in_dim3A_297, %select_n3A_271 : vector<200x10000xi1>, vector<200x10000xf32>
    %reduce_max3A_299 = arith.constant dense<0xFF800000> : vector<200xf32>
    %reduce_max3A_300 = vector.multi_reduction <maximumf>, %select_n3A_298, %reduce_max3A_299 [1] : vector<200x10000xf32> to vector<200xf32>
    %broadcast_in_dim3A_301 = vector.shape_cast %reduce_max3A_300 : vector<200xf32> to vector<200x1xf32>
    %ge3A_302 = vector.broadcast %broadcast_in_dim3A_301 : vector<200x1xf32> to vector<200x10000xf32>
    %ge3A_303 = arith.cmpf oge, %select_n3A_298, %ge3A_302 : vector<200x10000xf32>
    %jit3A_304 = arith.constant 10000 : i32
    %broadcast_in_dim3A_305 = vector.broadcast %jit3A_304 : i32 to vector<200x10000xi32>
    %select_n3A_306 = arith.select %ge3A_303, %iota3A, %broadcast_in_dim3A_305 : vector<200x10000xi1>, vector<200x10000xi32>
    %reduce_min3A_307 = arith.constant dense<2147483647> : vector<200xi32>
    %reduce_min3A_308 = vector.multi_reduction <minsi>, %select_n3A_306, %reduce_min3A_307 [1] : vector<200x10000xi32> to vector<200xi32>
    %eq3A_309 = arith.constant 10 : i32
    %eq3A_310 = vector.broadcast %eq3A_309 : i32 to vector<200x16xi32>
    %eq3A_311 = arith.cmpi eq, %iota3A_29, %eq3A_310 : vector<200x16xi32>
    %broadcast_in_dim3A_312 = vector.shape_cast %reduce_max3A_300 : vector<200xf32> to vector<200x1xf32>
    %broadcast_in_dim3A_313 = vector.shape_cast %broadcast_in_dim3A_312 : vector<200x1xf32> to vector<200x1xf32>
    %broadcast_in_dim3A_314 = vector.broadcast %broadcast_in_dim3A_313 : vector<200x1xf32> to vector<200x16xf32>
    %select_n3A_315 = arith.select %eq3A_311, %broadcast_in_dim3A_314, %select_n3A_288 : vector<200x16xi1>, vector<200x16xf32>
    %eq3A_316 = arith.constant 10 : i32
    %eq3A_317 = vector.broadcast %eq3A_316 : i32 to vector<200x16xi32>
    %eq3A_318 = arith.cmpi eq, %iota3A_29, %eq3A_317 : vector<200x16xi32>
    %broadcast_in_dim3A_319 = vector.shape_cast %reduce_min3A_308 : vector<200xi32> to vector<200x1xi32>
    %broadcast_in_dim3A_320 = vector.shape_cast %broadcast_in_dim3A_319 : vector<200x1xi32> to vector<200x1xi32>
    %broadcast_in_dim3A_321 = vector.broadcast %broadcast_in_dim3A_320 : vector<200x1xi32> to vector<200x16xi32>
    %select_n3A_322 = arith.select %eq3A_318, %broadcast_in_dim3A_321, %select_n3A_295 : vector<200x16xi1>, vector<200x16xi32>
    %jit3A_323 = arith.constant 0xFF800000 : f32
    %broadcast_in_dim3A_324 = vector.broadcast %jit3A_323 : f32 to vector<200x10000xf32>
    %select_n3A_325 = arith.select %ge3A_303, %broadcast_in_dim3A_324, %select_n3A_298 : vector<200x10000xi1>, vector<200x10000xf32>
    %reduce_max3A_326 = arith.constant dense<0xFF800000> : vector<200xf32>
    %reduce_max3A_327 = vector.multi_reduction <maximumf>, %select_n3A_325, %reduce_max3A_326 [1] : vector<200x10000xf32> to vector<200xf32>
    %broadcast_in_dim3A_328 = vector.shape_cast %reduce_max3A_327 : vector<200xf32> to vector<200x1xf32>
    %ge3A_329 = vector.broadcast %broadcast_in_dim3A_328 : vector<200x1xf32> to vector<200x10000xf32>
    %ge3A_330 = arith.cmpf oge, %select_n3A_325, %ge3A_329 : vector<200x10000xf32>
    %jit3A_331 = arith.constant 10000 : i32
    %broadcast_in_dim3A_332 = vector.broadcast %jit3A_331 : i32 to vector<200x10000xi32>
    %select_n3A_333 = arith.select %ge3A_330, %iota3A, %broadcast_in_dim3A_332 : vector<200x10000xi1>, vector<200x10000xi32>
    %reduce_min3A_334 = arith.constant dense<2147483647> : vector<200xi32>
    %reduce_min3A_335 = vector.multi_reduction <minsi>, %select_n3A_333, %reduce_min3A_334 [1] : vector<200x10000xi32> to vector<200xi32>
    %eq3A_336 = arith.constant 11 : i32
    %eq3A_337 = vector.broadcast %eq3A_336 : i32 to vector<200x16xi32>
    %eq3A_338 = arith.cmpi eq, %iota3A_29, %eq3A_337 : vector<200x16xi32>
    %broadcast_in_dim3A_339 = vector.shape_cast %reduce_max3A_327 : vector<200xf32> to vector<200x1xf32>
    %broadcast_in_dim3A_340 = vector.shape_cast %broadcast_in_dim3A_339 : vector<200x1xf32> to vector<200x1xf32>
    %broadcast_in_dim3A_341 = vector.broadcast %broadcast_in_dim3A_340 : vector<200x1xf32> to vector<200x16xf32>
    %select_n3A_342 = arith.select %eq3A_338, %broadcast_in_dim3A_341, %select_n3A_315 : vector<200x16xi1>, vector<200x16xf32>
    %eq3A_343 = arith.constant 11 : i32
    %eq3A_344 = vector.broadcast %eq3A_343 : i32 to vector<200x16xi32>
    %eq3A_345 = arith.cmpi eq, %iota3A_29, %eq3A_344 : vector<200x16xi32>
    %broadcast_in_dim3A_346 = vector.shape_cast %reduce_min3A_335 : vector<200xi32> to vector<200x1xi32>
    %broadcast_in_dim3A_347 = vector.shape_cast %broadcast_in_dim3A_346 : vector<200x1xi32> to vector<200x1xi32>
    %broadcast_in_dim3A_348 = vector.broadcast %broadcast_in_dim3A_347 : vector<200x1xi32> to vector<200x16xi32>
    %select_n3A_349 = arith.select %eq3A_345, %broadcast_in_dim3A_348, %select_n3A_322 : vector<200x16xi1>, vector<200x16xi32>
    %jit3A_350 = arith.constant 0xFF800000 : f32
    %broadcast_in_dim3A_351 = vector.broadcast %jit3A_350 : f32 to vector<200x10000xf32>
    %select_n3A_352 = arith.select %ge3A_330, %broadcast_in_dim3A_351, %select_n3A_325 : vector<200x10000xi1>, vector<200x10000xf32>
    %reduce_max3A_353 = arith.constant dense<0xFF800000> : vector<200xf32>
    %reduce_max3A_354 = vector.multi_reduction <maximumf>, %select_n3A_352, %reduce_max3A_353 [1] : vector<200x10000xf32> to vector<200xf32>
    %broadcast_in_dim3A_355 = vector.shape_cast %reduce_max3A_354 : vector<200xf32> to vector<200x1xf32>
    %ge3A_356 = vector.broadcast %broadcast_in_dim3A_355 : vector<200x1xf32> to vector<200x10000xf32>
    %ge3A_357 = arith.cmpf oge, %select_n3A_352, %ge3A_356 : vector<200x10000xf32>
    %jit3A_358 = arith.constant 10000 : i32
    %broadcast_in_dim3A_359 = vector.broadcast %jit3A_358 : i32 to vector<200x10000xi32>
    %select_n3A_360 = arith.select %ge3A_357, %iota3A, %broadcast_in_dim3A_359 : vector<200x10000xi1>, vector<200x10000xi32>
    %reduce_min3A_361 = arith.constant dense<2147483647> : vector<200xi32>
    %reduce_min3A_362 = vector.multi_reduction <minsi>, %select_n3A_360, %reduce_min3A_361 [1] : vector<200x10000xi32> to vector<200xi32>
    %eq3A_363 = arith.constant 12 : i32
    %eq3A_364 = vector.broadcast %eq3A_363 : i32 to vector<200x16xi32>
    %eq3A_365 = arith.cmpi eq, %iota3A_29, %eq3A_364 : vector<200x16xi32>
    %broadcast_in_dim3A_366 = vector.shape_cast %reduce_max3A_354 : vector<200xf32> to vector<200x1xf32>
    %broadcast_in_dim3A_367 = vector.shape_cast %broadcast_in_dim3A_366 : vector<200x1xf32> to vector<200x1xf32>
    %broadcast_in_dim3A_368 = vector.broadcast %broadcast_in_dim3A_367 : vector<200x1xf32> to vector<200x16xf32>
    %select_n3A_369 = arith.select %eq3A_365, %broadcast_in_dim3A_368, %select_n3A_342 : vector<200x16xi1>, vector<200x16xf32>
    %eq3A_370 = arith.constant 12 : i32
    %eq3A_371 = vector.broadcast %eq3A_370 : i32 to vector<200x16xi32>
    %eq3A_372 = arith.cmpi eq, %iota3A_29, %eq3A_371 : vector<200x16xi32>
    %broadcast_in_dim3A_373 = vector.shape_cast %reduce_min3A_362 : vector<200xi32> to vector<200x1xi32>
    %broadcast_in_dim3A_374 = vector.shape_cast %broadcast_in_dim3A_373 : vector<200x1xi32> to vector<200x1xi32>
    %broadcast_in_dim3A_375 = vector.broadcast %broadcast_in_dim3A_374 : vector<200x1xi32> to vector<200x16xi32>
    %select_n3A_376 = arith.select %eq3A_372, %broadcast_in_dim3A_375, %select_n3A_349 : vector<200x16xi1>, vector<200x16xi32>
    %jit3A_377 = arith.constant 0xFF800000 : f32
    %broadcast_in_dim3A_378 = vector.broadcast %jit3A_377 : f32 to vector<200x10000xf32>
    %select_n3A_379 = arith.select %ge3A_357, %broadcast_in_dim3A_378, %select_n3A_352 : vector<200x10000xi1>, vector<200x10000xf32>
    %reduce_max3A_380 = arith.constant dense<0xFF800000> : vector<200xf32>
    %reduce_max3A_381 = vector.multi_reduction <maximumf>, %select_n3A_379, %reduce_max3A_380 [1] : vector<200x10000xf32> to vector<200xf32>
    %broadcast_in_dim3A_382 = vector.shape_cast %reduce_max3A_381 : vector<200xf32> to vector<200x1xf32>
    %ge3A_383 = vector.broadcast %broadcast_in_dim3A_382 : vector<200x1xf32> to vector<200x10000xf32>
    %ge3A_384 = arith.cmpf oge, %select_n3A_379, %ge3A_383 : vector<200x10000xf32>
    %jit3A_385 = arith.constant 10000 : i32
    %broadcast_in_dim3A_386 = vector.broadcast %jit3A_385 : i32 to vector<200x10000xi32>
    %select_n3A_387 = arith.select %ge3A_384, %iota3A, %broadcast_in_dim3A_386 : vector<200x10000xi1>, vector<200x10000xi32>
    %reduce_min3A_388 = arith.constant dense<2147483647> : vector<200xi32>
    %reduce_min3A_389 = vector.multi_reduction <minsi>, %select_n3A_387, %reduce_min3A_388 [1] : vector<200x10000xi32> to vector<200xi32>
    %eq3A_390 = arith.constant 13 : i32
    %eq3A_391 = vector.broadcast %eq3A_390 : i32 to vector<200x16xi32>
    %eq3A_392 = arith.cmpi eq, %iota3A_29, %eq3A_391 : vector<200x16xi32>
    %broadcast_in_dim3A_393 = vector.shape_cast %reduce_max3A_381 : vector<200xf32> to vector<200x1xf32>
    %broadcast_in_dim3A_394 = vector.shape_cast %broadcast_in_dim3A_393 : vector<200x1xf32> to vector<200x1xf32>
    %broadcast_in_dim3A_395 = vector.broadcast %broadcast_in_dim3A_394 : vector<200x1xf32> to vector<200x16xf32>
    %select_n3A_396 = arith.select %eq3A_392, %broadcast_in_dim3A_395, %select_n3A_369 : vector<200x16xi1>, vector<200x16xf32>
    %eq3A_397 = arith.constant 13 : i32
    %eq3A_398 = vector.broadcast %eq3A_397 : i32 to vector<200x16xi32>
    %eq3A_399 = arith.cmpi eq, %iota3A_29, %eq3A_398 : vector<200x16xi32>
    %broadcast_in_dim3A_400 = vector.shape_cast %reduce_min3A_389 : vector<200xi32> to vector<200x1xi32>
    %broadcast_in_dim3A_401 = vector.shape_cast %broadcast_in_dim3A_400 : vector<200x1xi32> to vector<200x1xi32>
    %broadcast_in_dim3A_402 = vector.broadcast %broadcast_in_dim3A_401 : vector<200x1xi32> to vector<200x16xi32>
    %select_n3A_403 = arith.select %eq3A_399, %broadcast_in_dim3A_402, %select_n3A_376 : vector<200x16xi1>, vector<200x16xi32>
    %jit3A_404 = arith.constant 0xFF800000 : f32
    %broadcast_in_dim3A_405 = vector.broadcast %jit3A_404 : f32 to vector<200x10000xf32>
    %select_n3A_406 = arith.select %ge3A_384, %broadcast_in_dim3A_405, %select_n3A_379 : vector<200x10000xi1>, vector<200x10000xf32>
    %reduce_max3A_407 = arith.constant dense<0xFF800000> : vector<200xf32>
    %reduce_max3A_408 = vector.multi_reduction <maximumf>, %select_n3A_406, %reduce_max3A_407 [1] : vector<200x10000xf32> to vector<200xf32>
    %broadcast_in_dim3A_409 = vector.shape_cast %reduce_max3A_408 : vector<200xf32> to vector<200x1xf32>
    %ge3A_410 = vector.broadcast %broadcast_in_dim3A_409 : vector<200x1xf32> to vector<200x10000xf32>
    %ge3A_411 = arith.cmpf oge, %select_n3A_406, %ge3A_410 : vector<200x10000xf32>
    %jit3A_412 = arith.constant 10000 : i32
    %broadcast_in_dim3A_413 = vector.broadcast %jit3A_412 : i32 to vector<200x10000xi32>
    %select_n3A_414 = arith.select %ge3A_411, %iota3A, %broadcast_in_dim3A_413 : vector<200x10000xi1>, vector<200x10000xi32>
    %reduce_min3A_415 = arith.constant dense<2147483647> : vector<200xi32>
    %reduce_min3A_416 = vector.multi_reduction <minsi>, %select_n3A_414, %reduce_min3A_415 [1] : vector<200x10000xi32> to vector<200xi32>
    %eq3A_417 = arith.constant 14 : i32
    %eq3A_418 = vector.broadcast %eq3A_417 : i32 to vector<200x16xi32>
    %eq3A_419 = arith.cmpi eq, %iota3A_29, %eq3A_418 : vector<200x16xi32>
    %broadcast_in_dim3A_420 = vector.shape_cast %reduce_max3A_408 : vector<200xf32> to vector<200x1xf32>
    %broadcast_in_dim3A_421 = vector.shape_cast %broadcast_in_dim3A_420 : vector<200x1xf32> to vector<200x1xf32>
    %broadcast_in_dim3A_422 = vector.broadcast %broadcast_in_dim3A_421 : vector<200x1xf32> to vector<200x16xf32>
    %select_n3A_423 = arith.select %eq3A_419, %broadcast_in_dim3A_422, %select_n3A_396 : vector<200x16xi1>, vector<200x16xf32>
    %eq3A_424 = arith.constant 14 : i32
    %eq3A_425 = vector.broadcast %eq3A_424 : i32 to vector<200x16xi32>
    %eq3A_426 = arith.cmpi eq, %iota3A_29, %eq3A_425 : vector<200x16xi32>
    %broadcast_in_dim3A_427 = vector.shape_cast %reduce_min3A_416 : vector<200xi32> to vector<200x1xi32>
    %broadcast_in_dim3A_428 = vector.shape_cast %broadcast_in_dim3A_427 : vector<200x1xi32> to vector<200x1xi32>
    %broadcast_in_dim3A_429 = vector.broadcast %broadcast_in_dim3A_428 : vector<200x1xi32> to vector<200x16xi32>
    %select_n3A_430 = arith.select %eq3A_426, %broadcast_in_dim3A_429, %select_n3A_403 : vector<200x16xi1>, vector<200x16xi32>
    %jit3A_431 = arith.constant 0xFF800000 : f32
    %broadcast_in_dim3A_432 = vector.broadcast %jit3A_431 : f32 to vector<200x10000xf32>
    %select_n3A_433 = arith.select %ge3A_411, %broadcast_in_dim3A_432, %select_n3A_406 : vector<200x10000xi1>, vector<200x10000xf32>
    %reduce_max3A_434 = arith.constant dense<0xFF800000> : vector<200xf32>
    %reduce_max3A_435 = vector.multi_reduction <maximumf>, %select_n3A_433, %reduce_max3A_434 [1] : vector<200x10000xf32> to vector<200xf32>
    %broadcast_in_dim3A_436 = vector.shape_cast %reduce_max3A_435 : vector<200xf32> to vector<200x1xf32>
    %ge3A_437 = vector.broadcast %broadcast_in_dim3A_436 : vector<200x1xf32> to vector<200x10000xf32>
    %ge3A_438 = arith.cmpf oge, %select_n3A_433, %ge3A_437 : vector<200x10000xf32>
    %jit3A_439 = arith.constant 10000 : i32
    %broadcast_in_dim3A_440 = vector.broadcast %jit3A_439 : i32 to vector<200x10000xi32>
    %select_n3A_441 = arith.select %ge3A_438, %iota3A, %broadcast_in_dim3A_440 : vector<200x10000xi1>, vector<200x10000xi32>
    %reduce_min3A_442 = arith.constant dense<2147483647> : vector<200xi32>
    %reduce_min3A_443 = vector.multi_reduction <minsi>, %select_n3A_441, %reduce_min3A_442 [1] : vector<200x10000xi32> to vector<200xi32>
    %eq3A_444 = arith.constant 15 : i32
    %eq3A_445 = vector.broadcast %eq3A_444 : i32 to vector<200x16xi32>
    %eq3A_446 = arith.cmpi eq, %iota3A_29, %eq3A_445 : vector<200x16xi32>
    %broadcast_in_dim3A_447 = vector.shape_cast %reduce_max3A_435 : vector<200xf32> to vector<200x1xf32>
    %broadcast_in_dim3A_448 = vector.shape_cast %broadcast_in_dim3A_447 : vector<200x1xf32> to vector<200x1xf32>
    %broadcast_in_dim3A_449 = vector.broadcast %broadcast_in_dim3A_448 : vector<200x1xf32> to vector<200x16xf32>
    %select_n3A_450 = arith.select %eq3A_446, %broadcast_in_dim3A_449, %select_n3A_423 : vector<200x16xi1>, vector<200x16xf32>
    %eq3A_451 = arith.constant 15 : i32
    %eq3A_452 = vector.broadcast %eq3A_451 : i32 to vector<200x16xi32>
    %eq3A_453 = arith.cmpi eq, %iota3A_29, %eq3A_452 : vector<200x16xi32>
    %broadcast_in_dim3A_454 = vector.shape_cast %reduce_min3A_443 : vector<200xi32> to vector<200x1xi32>
    %broadcast_in_dim3A_455 = vector.shape_cast %broadcast_in_dim3A_454 : vector<200x1xi32> to vector<200x1xi32>
    %broadcast_in_dim3A_456 = vector.broadcast %broadcast_in_dim3A_455 : vector<200x1xi32> to vector<200x16xi32>
    %select_n3A_457 = arith.select %eq3A_453, %broadcast_in_dim3A_456, %select_n3A_430 : vector<200x16xi1>, vector<200x16xi32>
    %swap3A = arith.constant 0 : index
    %swap3A_458 = arith.constant 0 : index
    %swap3A_459 = vector.load %arg5[%swap3A, %swap3A_458] : memref<200x16xf32, #tpu.memory_space<vmem>>, vector<200x16xf32>
    tpu.vector_store %arg5[%swap3A, %swap3A_458], %select_n3A_450 {strides = array<i32>} : memref<200x16xf32, #tpu.memory_space<vmem>>, vector<200x16xf32>,
    %swap3A_460 = arith.constant 0 : index
    %swap3A_461 = arith.constant 0 : index
    %swap3A_462 = vector.load %arg6[%swap3A_460, %swap3A_461] : memref<200x16xi32, #tpu.memory_space<vmem>>, vector<200x16xi32>
    tpu.vector_store %arg6[%swap3A_460, %swap3A_461], %select_n3A_457 {strides = array<i32>} : memref<200x16xi32, #tpu.memory_space<vmem>>, vector<200x16xi32>,
    return
  }
  func.func @transform_0(%arg0: i32) -> (i32, i32) {
    %c0_i32 = arith.constant 0 : i32
    %c0_i32_0 = arith.constant 0 : i32
    %c0_i32_1 = arith.constant 0 : i32
    return %c0_i32, %c0_i32_0 : i32, i32
  }
  func.func @transform_1(%arg0: i32) -> (i32, i32) {
    %add3A = arith.constant 0 : i32
    %add3A_0 = arith.addi %add3A, %arg0 : i32
    %c0_i32 = arith.constant 0 : i32
    %c0_i32_1 = arith.constant 0 : i32
    return %add3A_0, %c0_i32 : i32, i32
  }
  func.func @transform_2(%arg0: i32) -> (i32, i32) {
    %add3A = arith.constant 0 : i32
    %add3A_0 = arith.addi %add3A, %arg0 : i32
    %c0_i32 = arith.constant 0 : i32
    %c0_i32_1 = arith.constant 0 : i32
    return %add3A_0, %c0_i32 : i32, i32
  }
  func.func @transform_3(%arg0: i32) -> (i32, i32) {
    %c0_i32 = arith.constant 0 : i32
    %c0_i32_0 = arith.constant 0 : i32
    %c0_i32_1 = arith.constant 0 : i32
    return %c0_i32, %c0_i32_0 : i32, i32
  }
  func.func @transform_4(%arg0: i32) -> (i32, i32) {
    %c0_i32 = arith.constant 0 : i32
    %c0_i32_0 = arith.constant 0 : i32
    return %arg0, %c0_i32 : i32, i32
  }
  func.func @transform_5(%arg0: i32) -> (i32, i32) {
    %c0_i32 = arith.constant 0 : i32
    %c0_i32_0 = arith.constant 0 : i32
    return %arg0, %c0_i32 : i32, i32
  }
}

module attributes {stable_mosaic.version = 14 : i64} {
  func.func @_mlp_body(%arg0: i32, %arg1: memref<256x128xf32, #tpu.memory_space<vmem>>, %arg2: memref<128x128xf32, #tpu.memory_space<vmem>>, %arg3: memref<1x128xf32, #tpu.memory_space<vmem>>, %arg4: memref<128x12xf32, #tpu.memory_space<vmem>>, %arg5: memref<1x12xf32, #tpu.memory_space<vmem>>, %arg6: memref<256x12xf32, #tpu.memory_space<vmem>>) attributes {dimension_semantics = [#tpu.dimension_semantics<arbitrary>], iteration_bounds = array<i64: 40>, scalar_prefetch = 0 : i64, scratch_operands = 0 : i64, tpu.core_type = #tpu.core_type<tc>, window_params = [{transform_indices = @transform_0, window_bounds = array<i64: 256, 128>}, {pipeline_mode = #tpu.pipeline_mode<synchronous>, transform_indices = @transform_1, window_bounds = array<i64: 128, 128>}, {pipeline_mode = #tpu.pipeline_mode<synchronous>, transform_indices = @transform_2, window_bounds = array<i64: 1, 128>}, {pipeline_mode = #tpu.pipeline_mode<synchronous>, transform_indices = @transform_3, window_bounds = array<i64: 128, 12>}, {pipeline_mode = #tpu.pipeline_mode<synchronous>, transform_indices = @transform_4, window_bounds = array<i64: 1, 12>}, {transform_indices = @transform_5, window_bounds = array<i64: 256, 12>}]} {
    %get3A = arith.constant 0 : index
    %get3A_0 = arith.constant 0 : index
    %get3A_1 = vector.load %arg1[%get3A, %get3A_0] : memref<256x128xf32, #tpu.memory_space<vmem>>, vector<256x128xf32>
    %mul3A = arith.constant 0.0588235296 : f32
    %mul3A_2 = vector.broadcast %mul3A : f32 to vector<256x128xf32>
    %mul3A_3 = arith.mulf %get3A_1, %mul3A_2 : vector<256x128xf32>
    %get3A_4 = arith.constant 0 : index
    %get3A_5 = arith.constant 0 : index
    %get3A_6 = vector.load %arg2[%get3A_4, %get3A_5] : memref<128x128xf32, #tpu.memory_space<vmem>>, vector<128x128xf32>
    %dot_general3A = arith.constant dense<0.000000e+00> : vector<256x128xf32>
    %dot_general3A_7 = tpu.matmul %mul3A_3, %get3A_6, %dot_general3A {dimension_numbers = #tpu.dot_dimension_numbers<[1], [0], [0], [1], [0, 0, 1, 1], [], []>, precision = #tpu.contract_precision<fp32>, transpose_lhs_hint = false} : vector<256x128xf32>, vector<128x128xf32>, vector<256x128xf32> -> vector<256x128xf32>
    %get3A_8 = arith.constant 0 : index
    %get3A_9 = arith.constant 0 : index
    %get3A_10 = vector.load %arg3[%get3A_8, %get3A_9] : memref<1x128xf32, #tpu.memory_space<vmem>>, vector<1x128xf32>
    %add3A = vector.broadcast %get3A_10 : vector<1x128xf32> to vector<256x128xf32>
    %add3A_11 = arith.addf %dot_general3A_7, %add3A : vector<256x128xf32>
    %max3A = arith.constant 0.000000e+00 : f32
    %max3A_12 = vector.broadcast %max3A : f32 to vector<256x128xf32>
    %max3A_13 = arith.maximumf %add3A_11, %max3A_12 : vector<256x128xf32>
    %get3A_14 = arith.constant 0 : index
    %get3A_15 = arith.constant 0 : index
    %get3A_16 = vector.load %arg4[%get3A_14, %get3A_15] : memref<128x12xf32, #tpu.memory_space<vmem>>, vector<128x12xf32>
    %dot_general3A_17 = arith.constant dense<0.000000e+00> : vector<256x12xf32>
    %dot_general3A_18 = tpu.matmul %max3A_13, %get3A_16, %dot_general3A_17 {dimension_numbers = #tpu.dot_dimension_numbers<[1], [0], [0], [1], [0, 0, 1, 1], [], []>, precision = #tpu.contract_precision<fp32>, transpose_lhs_hint = false} : vector<256x128xf32>, vector<128x12xf32>, vector<256x12xf32> -> vector<256x12xf32>
    %get3A_19 = arith.constant 0 : index
    %get3A_20 = arith.constant 0 : index
    %get3A_21 = vector.load %arg5[%get3A_19, %get3A_20] : memref<1x12xf32, #tpu.memory_space<vmem>>, vector<1x12xf32>
    %add3A_22 = vector.broadcast %get3A_21 : vector<1x12xf32> to vector<256x12xf32>
    %add3A_23 = arith.addf %dot_general3A_18, %add3A_22 : vector<256x12xf32>
    %swap3A = arith.constant 0 : index
    %swap3A_24 = arith.constant 0 : index
    %swap3A_25 = vector.load %arg6[%swap3A, %swap3A_24] : memref<256x12xf32, #tpu.memory_space<vmem>>, vector<256x12xf32>
    tpu.vector_store %arg6[%swap3A, %swap3A_24], %add3A_23 {strides = array<i32>} : memref<256x12xf32, #tpu.memory_space<vmem>>, vector<256x12xf32>,
    return
  }
  func.func @transform_0(%arg0: i32) -> (i32, i32) {
    %c0_i32 = arith.constant 0 : i32
    %c0_i32_0 = arith.constant 0 : i32
    return %arg0, %c0_i32 : i32, i32
  }
  func.func @transform_1(%arg0: i32) -> (i32, i32) {
    %c0_i32 = arith.constant 0 : i32
    %c0_i32_0 = arith.constant 0 : i32
    %c0_i32_1 = arith.constant 0 : i32
    return %c0_i32, %c0_i32_0 : i32, i32
  }
  func.func @transform_2(%arg0: i32) -> (i32, i32) {
    %c0_i32 = arith.constant 0 : i32
    %c0_i32_0 = arith.constant 0 : i32
    %c0_i32_1 = arith.constant 0 : i32
    return %c0_i32, %c0_i32_0 : i32, i32
  }
  func.func @transform_3(%arg0: i32) -> (i32, i32) {
    %c0_i32 = arith.constant 0 : i32
    %c0_i32_0 = arith.constant 0 : i32
    %c0_i32_1 = arith.constant 0 : i32
    return %c0_i32, %c0_i32_0 : i32, i32
  }
  func.func @transform_4(%arg0: i32) -> (i32, i32) {
    %c0_i32 = arith.constant 0 : i32
    %c0_i32_0 = arith.constant 0 : i32
    %c0_i32_1 = arith.constant 0 : i32
    return %c0_i32, %c0_i32_0 : i32, i32
  }
  func.func @transform_5(%arg0: i32) -> (i32, i32) {
    %c0_i32 = arith.constant 0 : i32
    %c0_i32_0 = arith.constant 0 : i32
    return %arg0, %c0_i32 : i32, i32
  }
}

</mosaic_0001>

<sc_bundles>
// kernel: kernel.5.cloned.1.call-start
scs
__scs_entry_jumppad:
0x0: {  	(pc) =	sbr.rel $0x88, $3  }
0x1: {  	(tag) =	ssettag $0x0;
	lr =	simm.s32 $0x1  }
0x2: {  	[smem:$0x3F9B] =	sst lr;
	_ =	strace $0xD0000000  }
0x3: {  	_ = 	snop  }
0x4: {  	_ = 	snop  }
0x5: {  	_ = 	snop  }
0x6: {  	_ = 	snop  }
0x7: {  	_ = 	snop  }
__scs_overlays_trampoline_lowered:
0x8: {  	[smem:$0x3FAA] =	sst s0  }
0x9: {  	[smem:$0x3FAB] =	sst s1  }
0xa: {  	[smem:$0x3FAC] =	sst s2  }
0xb: {  	[smem:$0x3FAD] =	sst s3  }
0xc: {  	[smem:$0x3FAE] =	sst s4  }
0xd: {  	[smem:$0x3FAF] =	sst s5  }
0xe: {  	[smem:$0x3FB0] =	sst s6  }
0xf: {  	[smem:$0x3FB1] =	sst s7  }
0x10: {  	[smem:$0x3FB2] =	sst s8  }
0x11: {  	[smem:$0x3FB3] =	sst s9;
	s0 =	simm.s32 @!p0 $0x0  }
0x12: {  	s1 =	sld [smem:$0x3F99];
	s0 =	simm.s32 @p0 $0x1  }
0x13: {  	[smem:$0x3FB4] =	sst s0;
	s0 =	simm.s32 @!p1 $0x0  }
0x14: {  	s2 =	sld [smem:$0x3F98];
	s0 =	simm.s32 @p1 $0x1  }
0x15: {  	[smem:$0x3FB5] =	sst s0;
	s0 =	simm.s32 @!p2 $0x0  }
0x16: {  	s3 =	sld [smem:$0x3FDB];
	s0 =	simm.s32 @p2 $0x1  }
0x17: {  	s4 =	simm.s32 $0x1BF5;
	[smem:$0x3FB7] =	sst s0  }
0x18: {  	s0 =	sld [smem:$0x3F9A];
	_ =	swait.ge [sflag:s4], $0x0  }
0x19: {  	s7 =	sld [smem:$0x3F9B]  }
0x1a: {  	s8 =	sadd.s32 $0xFFFFE003, lr  }
0x1b: {  	s9 =	sadd.s32 $0xFFFFFEF7, lr;
	s5 =	simm.s32 $0xFFFFFFFF;
	p2 =	slt.u32 s8, $0xFFFFF086  }
0x1c: {  	p1 =	slt.u32 s9, $0xF7A;
	s5 =	simm.s32 @!p2 $0x0  }
0x1d: {  	s5 =	simm.s32 @p1 $0x1;
	p0 =	seq.s32 s7, s2  }
0x1e: {  	s7 =	smul.u32 @!p0 $0xF7A, s2;
	p2 =	seq.s32 @!p0 s5, $0x0  }
0x1f: {  	s9 =	smul.u32 $0xF7A, s1;
	s8 =	simm.s32 @!p0 $0x1BF5;
	p2 =	por !p2, p0  }
0x20: {  	[sflag:s8] =	ssyncset.s32 @!p0 $0xFFFFF086;
	s6 =	sadd.s32 @!p0 s3, s7;
	s7 =	simm.s32 @!p0 $0x108  }
0x21: {  	s3 =	sadd.s32 s3, s9;
	s6 =	sadd.s32 @!p0 $0x88, s6;
	s7 =	simm.s32 @p2 $0x1082  }
0x22: {  	[simem:s7], [sflag:s8] =	dma.local @!p0 [hbm:s6], $0xF7A  }
0x23: {  	s9 =	sor.u32 $0xD0000000, s2;
	s6 =	simm.s32 $0x108;
	_ =	swait.ge @!p0 [sflag:s8], $0x0  }
0x24: {  	s3 =	sadd.s32 $0x88, s3;
	s6 =	simm.s32 @!p1 $0x1082;
	[sflag:s4] =	ssyncset.s32 $0xFFFFF086  }
0x25: {  	[simem:s6], [sflag:s4] =	dma.local [hbm:s3], $0xF7A  }
0x26: {  	[smem:$0x3F9B] =	sst s1;
	(tag) =	ssettag s2;
	_ =	strace s9  }
0x27: {  	s1 =	sld [smem:$0x3FAB]  }
0x28: {  	s2 =	sld [smem:$0x3FAC]  }
0x29: {  	s4 =	sld [smem:$0x3FAE]  }
0x2a: {  	p0 =	seq.s32 s5, $0x0;
	s5 =	sld [smem:$0x3FAF]  }
0x2b: {  	s6 =	sld [smem:$0x3FB0]  }
0x2c: {  	s7 =	sld [smem:$0x3FB1]  }
0x2d: {  	s3 =	simm.s32 $0x108;
	s8 =	sld [smem:$0x3FB2]  }
0x2e: {  	s3 =	simm.s32 @!p0 $0x1082;
	s9 =	sld [smem:$0x3FB3]  }
0x2f: {  	lr =	sadd.s32 s0, s3;
	s0 =	sld [smem:$0x3FAA]  }
0x30: {  	s3 =	sld [smem:$0x3FAD]  }
0x31: {  	[smem:$0x3FB6] =	sst s10  }
0x32: {  	s10 =	sld [smem:$0x3FB4];
	_ =	sdelay $0x3  }
0x33: {  	p0 =	seq.s32 s10, $0x1;
	s10 =	sld [smem:$0x3FB6];
	_ =	sdelay $0x3  }
0x34: {  	[smem:$0x3FB6] =	sst s10  }
0x35: {  	s10 =	sld [smem:$0x3FB5];
	_ =	sdelay $0x3  }
0x36: {  	p1 =	seq.s32 s10, $0x1;
	s10 =	sld [smem:$0x3FB6];
	_ =	sdelay $0x3  }
0x37: {  	[smem:$0x3FB6] =	sst s10  }
0x38: {  	s10 =	sld [smem:$0x3FB7]  }
0x39: {  	_ = 	snop;
	(pc) =	sbr.ind lr, $3  }
0x3a: {  	_ = 	snop  }
0x3b: {  	_ = 	snop  }
0x3c: {  	p2 =	seq.s32 s10, $0x1;
	s10 =	sld [smem:$0x3FB6]  }
0x3d: {  	_ =	shalt  }
0x3e: {  	_ =	shalt  }
0x3f: {  	_ =	shalt  }
0x40: {  	_ =	shalt  }
0x41: {  	_ =	shalt  }
0x42: {  	_ =	shalt  }
0x43: {  	_ =	shalt  }
0x44: {  	_ =	shalt  }
0x45: {  	_ =	shalt  }
0x46: {  	_ =	shalt  }
0x47: {  	_ =	shalt  }
0x48: {  	_ =	shalt  }
0x49: {  	_ =	shalt  }
0x4a: {  	_ =	shalt  }
0x4b: {  	_ =	shalt  }
0x4c: {  	_ =	shalt  }
0x4d: {  	_ =	shalt  }
0x4e: {  	_ =	shalt  }
0x4f: {  	_ =	shalt  }
0x50: {  	_ =	shalt  }
0x51: {  	_ =	shalt  }
0x52: {  	_ =	shalt  }
0x53: {  	_ =	shalt  }
0x54: {  	_ =	shalt  }
0x55: {  	_ =	shalt  }
0x56: {  	_ =	shalt  }
0x57: {  	_ =	shalt  }
0x58: {  	_ =	shalt  }
0x59: {  	_ =	shalt  }
0x5a: {  	_ =	shalt  }
0x5b: {  	_ =	shalt  }
0x5c: {  	_ =	shalt  }
0x5d: {  	_ =	shalt  }
0x5e: {  	_ =	shalt  }
0x5f: {  	_ =	shalt  }
0x60: {  	_ =	shalt  }
0x61: {  	_ =	shalt  }
0x62: {  	_ =	shalt  }
0x63: {  	_ =	shalt  }
0x64: {  	_ =	shalt  }
0x65: {  	_ =	shalt  }
0x66: {  	_ =	shalt  }
0x67: {  	_ =	shalt  }
0x68: {  	_ =	shalt  }
0x69: {  	_ =	shalt  }
0x6a: {  	_ =	shalt  }
0x6b: {  	_ =	shalt  }
0x6c: {  	_ =	shalt  }
0x6d: {  	_ =	shalt  }
0x6e: {  	_ =	shalt  }
0x6f: {  	_ =	shalt  }
0x70: {  	_ =	shalt  }
0x71: {  	_ =	shalt  }
0x72: {  	_ =	shalt  }
0x73: {  	_ =	shalt  }
0x74: {  	_ =	shalt  }
0x75: {  	_ =	shalt  }
0x76: {  	_ =	shalt  }
0x77: {  	_ =	shalt  }
0x78: {  	_ =	shalt  }
0x79: {  	_ =	shalt  }
0x7a: {  	_ =	shalt  }
0x7b: {  	_ =	shalt  }
0x7c: {  	_ =	shalt  }
0x7d: {  	_ =	shalt  }
0x7e: {  	_ =	shalt  }
0x7f: {  	_ =	shalt  }
0x80: {  	_ =	shalt  }
0x81: {  	_ =	shalt  }
0x82: {  	_ =	shalt  }
0x83: {  	_ =	shalt  }
0x84: {  	_ =	shalt  }
0x85: {  	_ =	shalt  }
0x86: {  	_ =	shalt  }
0x87: {  	_ =	shalt  }
.Lfunc_end0:
.L_simem_size_0:
called_computation_lowered:
.L_overlay_start_0:
0x88: {  	s2 =	sld [smem:$0x3FD9]  }
0x89: {  	s3 =	sld [smem:$0x3FFE];
	_ =	sdelay $0x1  }
0x8a: {  	s1 =	srdreg.scid  }
0x8b: {  	s0 =	sand.u32 $0x1, s1  }
0x8c: {  	s16 =	sshll.u32 s0, $0xA;
	s2 =	sadd.s32 s3, s2  }
0x8d: {  	s2 =	sadd.s32 s2, s16  }
0x8e: {  	[smem:$0x3FC2] =	sst s2  }
0x8f: {  	_ = 	snop  }
0x90: {  	(tm) =	ssettm $0x1  }
0x91: {  	s17 =	sld [smem:$0x3FFB];
	_ =	sdelay $0x3  }
0x92: {  	_ =	strace s17  }
0x93: {  	s2 =	sld [smem:$0x3FFC];
	_ =	sdelay $0x3  }
0x94: {  	_ =	strace s2  }
0x95: {  	s2 =	sld [smem:$0x3FFD];
	_ =	sdelay $0x3  }
0x96: {  	_ =	strace s2  }
0x97: {  	_ =	strace $0x8FFFFFFF  }
0x98: {  	s18 =	sld [smem:$0x3FDB];
	_ =	sdelay $0x1  }
0x99: {  	s19 =	simm.s32 $_scs_section_size  }
0x9a: {  	s4 =	simm.s32 $_size__tile_overlayer_lowered;
	s5 =	simm.s32 $_tile_overlayer_lowered  }
0x9b: {  	s22 =	simm.s32 $0x1BFF;
	s21 =	sshll.u32 s5, $0x1;
	s2 =	sadd.s32 s19, s18  }
0x9c: {  	s6 =	simm.s32 $0x0;
	s20 =	sshll.u32 s4, $0x1;
	s4 =	sadd.s32 s21, s2  }
0x9d: {  	[timem:s6], [sflag:s22] =	dma.local [hbm:s4], s20  }
0x9e: {  	_ =	swait.ge [sflag:s22], s20  }
0x9f: {  	s3 =	ssub.s32 $0x0, s20;
	[sflag:s22] =	ssyncset.done $0x0  }
0xa0: {  	[sflag:s22] =	ssyncadd.s32 s3;
	_ =	sdelay $0x1  }
0xa1: {  	s23 =	simm.s32 $0x1B8B  }
0xa2: {  	_ =	swait.ge [sflag:s23], $0x1  }
0xa3: {  	[sflag:s23] =	ssyncset.done $0x0  }
0xa4: {  	s25 =	simm.s32 $0x1B8E;
	s24 =	sld [smem:$0x3FFE];
	[sflag:s23] =	ssyncadd.s32 $0xFFFFFFFF  }
0xa5: {  	s26 =	simm.s32 $execute0_lowered;
	[smem:$0x3FD2] =	sst s25  }
0xa6: {  	s4 =	sshll.u32 s26, $0x1;
	_ =	strace $0x80000046;
	[dreg:$0x1] =	wrdreg $0xFFFFFFFF  }
0xa7: {  	s28 =	simm.s32 $_size_execute0_lowered;
	s2 =	sadd.s32 s2, s4;
	[dreg:$0x0] =	wrdreg $0x0  }
0xa8: {  	s4 =	sshll.u32 s28, $0x1;
	[dreg:$0x2] =	wrdreg s2  }
0xa9: {  	[dreg:$0x3] =	wrdreg s4  }
0xaa: {  	[dreg:$0x4] =	wrdreg $0xC0  }
0xab: {  	_ =	task [dreg:s6], $0x5FFFF  }
0xac: {  	[dreg:$0x1] =	wrdreg $0xFFFFFFFF  }
0xad: {  	[dreg:$0x0] =	wrdreg $0x60  }
0xae: {  	[dreg:$0x2] =	wrdreg s24  }
0xaf: {  	[dreg:$0x3] =	wrdreg $0x9  }
0xb0: {  	_ =	task.clear_ibuf [dreg:s6], $0x4FFFF;
	_ =	strace $0x90000046  }
0xb1: {  	s29 =	simm.s32 $0x9;
	_ =	strace $0x80000048  }
0xb2: {  	_ =	swait.ge [sflag:s29], $0x1  }
0xb3: {  	[sflag:s29] =	ssyncadd.s32 $0xFFFFFFFF  }
0xb4: {  	_ =	strace $0x90000048  }
0xb5: {  	_ =	sfence  }
0xb6: {  	s30 =	sld [smem:$0x0];
	_ =	sdelay $0x2  }
0xb7: {  	s31 =	sshll.u32 s1, $0xD;
	s1 =	sshrl.u32 s1, $0x2  }
0xb8: {  	s3 =	sand.u32 $0x4000, s31;
	s1 =	sadd.s32 s1, s30  }
0xb9: {  	s0 =	sor.u32 s3, s0;
	s1 =	sshll.u32 s1, $0x11  }
0xba: {  	s0 =	sor.u32 s1, s0  }
0xbb: {  	s0 =	sadd.s32 $0x8F2B, s0  }
0xbc: {  	[sflag:s0] =	ssyncadd.remote.s32 $0x1  }
0xbd: {  	_ =	sfence.sel $0xFFFF  }
0xbe: {  	[dreg:$0x0] =	wrdreg $0xFFFFFFFF;
	(pc) =	sbr.abs _section_cstart, $3  }
0xbf: {  	[dreg:$0x1] =	wrdreg $0xFFFFFFFF  }
0xc0: {  	_ =	task.clear_ibuf [dreg:s6], $0x2FFFF;
	_ =	strace $0x9FFFFFFF  }
0xc1: {  	(tm) =	ssettm $0x7FFFFFFF  }
tec
execute0_lowered:
.L_overlay_start_1:
0x0: {  	(tag) =	ssettag $0x1  }
0x1: {  	s1 =	srdreg.scid  }
0x2: {  	s0 =	stileid.u32;
	s4 =	rddreg [dreg:$0x0];
	s2 =	simm.s32 $0x0  }
0x3: {  	s9 =	simm.s32 $0x80;
	s10 =	simm.s32 $0x1400;
	s11 =	simm.s32 $0x9400  }
0x4: {  	s12 =	simm.s32 $0x2;
	s13 =	simm.s32 $0x1;
	s14 =	simm.s32 $0x0  }
0x5: {  	s3 =	sand.u32 $0x1, s1;
	s5 =	sshll.u32 s0, $0x1;
	s1 =	rddreg [dreg:$0x1]  }
.Ltmp0:
0x6: {  	[smem:$0x7FF] =	sst s2;
	s6 =	sor.u32 s3, s5;
	(pc) =	sbr.rel .LBB2_1-.Ltmp0, $4  }
0x7: {  	_ =	strace $0x80000047;
	s7 =	ssub.s32 $0x2, s3;
	s5 =	smul.u32 $0x280, s6  }
0x8: {  	s3 =	sadd.s32 $0x6800, s4;
	s8 =	sshrl.u32 s7, $0x1;
	s6 =	smul.u32 $0x28, s6  }
0x9: {  	s7 =	ssub.s32 s7, s8;
	s8 =	simm.s32 $0x3;
	s5 =	sadd.s32 s5, s4  }
0xa: {  	s4 =	sadd.s32 $0x2E800, s4;
	s7 =	smax.u32 s7, $0x1;
	s5 =	sadd.s32 $0x1800, s5  }
.LBB2_12:
0xb: {  	s14 =	sadd.s32 $0x1, s14  }
0xc: {  	p0 =	sne.s32 s14, s7  }
.Ltmp1:
0xd: {  	_ = 	snop;
	(pc) =	sbr.rel @!p0 .LBB2_13-.Ltmp1, $1  }
0xe: {  	_ =	sdelay $0x3  }
.LBB2_1:
0xf: {  	[tilespmem:s2], [sflag:$0x3] =	stream.linear.gather [hbm4b:s5+s2], $0x1400, $0x38;
	[tilespmem:$0x9800] =	vst v63  }
.Ltmp2:
0x10: {  	_ = 	snop;
	(pc) =	sbr.rel .LBB2_2-.Ltmp2, $4  }
0x11: {  	_ =	swait.ge [sflag:s8], $0x1400  }
0x12: {  	[sflag:s8] =	ssyncset.done $0x0  }
0x13: {  	s15 =	simm.s32 $0x0;
	[sflag:s8] =	ssyncadd.s32 $0xFFFFEC00  }
0x14: {  	[tilespmem:s10], [sflag:$0x1] =	stream.indirect.gather [hbm4b:s3+s9], $0x80, s2, s9, $0xb8;
	[tilespmem:$0x9800] =	vst v63  }
.LBB2_11:
0x15: {  	p0 =	sne.s32 s15, $0x28  }
.Ltmp3:
0x16: {  	s16 =	sadd.s32 s4, s16;
	(pc) =	sbr.rel @!p0 .LBB2_12-.Ltmp3, $4  }
0x17: {  	[hbm4b:s16+s2] =	stream.linear.scatter [tilespmem:s11], [sflag:$0x3], $0x400, $0x38;
	[tilespmem:$0x9800] =	vst v63  }
0x18: {  	_ =	swait.ge [sflag:s8], $0x400  }
0x19: {  	[sflag:s8] =	ssyncset.done $0x0  }
0x1a: {  	[sflag:s8] =	ssyncadd.s32 $0xFFFFFC00  }
.LBB2_2:
0x1b: {  	p0 =	seq.s32 s15, $0x27  }
0x1c: {  	s16 =	smov.u32 s15;
	s17 =	sand.u32 @!p0 $0x1, s15;
	s15 =	sadd.s32 $0x1, s15  }
0x1d: {  	p2 =	seq.s32 @!p0 s17, $0x1;
	s17 =	sshll.u32 @!p0 s15, $0x7  }
0x1e: {  	p1 =	por !p2, p0;
	s17 =	sand.u32 @!p0 $0x3FFFFF80, s17  }
0x1f: {  	p2 =	por p2, p0;
	s18 =	simm.s32 @!p1 $0x80;
	s19 =	simm.s32 @!p1 $0x1400  }
0x20: {  	[tilespmem:s19], [sflag:$0x1] =	stream.indirect.gather @!p1 [hbm4b:s3+s18], $0x80, s17, s18, $0xb8;
	[tilespmem:$0x9800] =	vst v63  }
0x21: {  	s18 =	simm.s32 @!p2 $0x80;
	s19 =	simm.s32 @!p2 $0x5400  }
0x22: {  	[tilespmem:s19], [sflag:$0x2] =	stream.indirect.gather @!p2 [hbm4b:s3+s18], $0x80, s17, s18, $0xb8;
	[tilespmem:$0x9800] =	vst v63  }
0x23: {  	p3 =	por @!p1 $0x1, $0x1;
	p2 =	por @!p2 $0x0, $0x0  }
0x24: {  	s16 =	sadd.s32 s6, s16;
	p2 =	por @!p1 p3, p3;
	p1 =	por $0x1, $0x1  }
0x25: {  	s16 =	sshll.u32 s16, $0x7;
	p1 =	por @!p0 p2, p2  }
.Ltmp4:
0x26: {  	s31 =	sadd.s32 s3, s16;
	(pc) =	sbr.rel @!p1 .LBB2_3-.Ltmp4, $4  }
0x27: {  	[tilespmem:s11], [sflag:$0x3] =	stream.linear.gather [hbm4b:s31+s2], $0x400, $0x38;
	[tilespmem:$0x9800] =	vst v63  }
0x28: {  	_ =	swait.ge [sflag:s8], $0x400  }
0x29: {  	[sflag:s8] =	ssyncset.done $0x0  }
0x2a: {  	[sflag:s8] =	ssyncadd.s32 $0xFFFFFC00  }
0x2b: {  	_ =	swait.ge [sflag:s12], $0x4000  }
0x2c: {  	s17 =	simm.s32 $0x0;
	[sflag:s12] =	ssyncset.done $0x0  }
0x2d: {  	s18 =	simm.s32 $0x9400;
	s19 =	simm.s32 $0x1400;
	[sflag:s12] =	ssyncadd.s32 $0xFFFFC000  }
.LBB2_8:
0x2e: {  	v1 =	vmov s19  }
0x2f: {  	v0 =	vmov s18;
	_ =	sdelay $0x2  }
0x30: {  	s20 =	simm.s32 $0x0  }
0x31: {  	s21 =	simm.s32 $0x40;
	v2 =	vld.idx.msk [tilespmem:v1+s20+$0x4000 ss:$0x1], $0xffff  }
.LBB2_9:
0x32: {  	p0 =	sne.s32 s21, $0x1C0;
	v3 =	vld.idx.msk [tilespmem:v0+s20+$0x0 ss:$0x1], $0xffff;
	_ =	sdelay $0x1  }
0x33: {  	v4 =	vld.idx.msk [tilespmem:v1+s20+$0x4080 ss:$0x1], $0xffff;
	_ =	sdelay $0x1  }
0x34: {  	v5 =	vld.idx.msk [tilespmem:v1+s20+$0x4100 ss:$0x1], $0xffff;
	_ =	sdelay $0x1  }
0x35: {  	v2 =	vadd.f32 v2, v3;
	v3 =	vld.idx.msk [tilespmem:v1+s20+$0x4180 ss:$0x1], $0xffff;
	_ =	sdelay $0x1  }
0x36: {  	v2 =	vadd.f32 v4, v2;
	v4 =	vld.idx.msk [tilespmem:v1+s20+$0x4200 ss:$0x1], $0xffff;
	_ =	sdelay $0x1  }
0x37: {  	v2 =	vadd.f32 v5, v2;
	v5 =	vld.idx.msk [tilespmem:v1+s20+$0x4280 ss:$0x1], $0xffff;
	_ =	sdelay $0x1  }
0x38: {  	v2 =	vadd.f32 v3, v2;
	v3 =	vld.idx.msk [tilespmem:v1+s20+$0x4300 ss:$0x1], $0xffff;
	_ =	sdelay $0x1  }
0x39: {  	v2 =	vadd.f32 v4, v2;
	v4 =	vld.idx.msk [tilespmem:v1+s20+$0x4380 ss:$0x1], $0xffff;
	_ =	sdelay $0x1  }
0x3a: {  	v2 =	vadd.f32 v5, v2;
	v5 =	vld.idx.msk [tilespmem:v1+s20+$0x4400 ss:$0x1], $0xffff;
	_ =	sdelay $0x1  }
0x3b: {  	v2 =	vadd.f32 v3, v2;
	v3 =	vld.idx.msk [tilespmem:v1+s20+$0x4480 ss:$0x1], $0xffff;
	_ =	sdelay $0x1  }
0x3c: {  	v2 =	vadd.f32 v4, v2;
	v4 =	vld.idx.msk [tilespmem:v1+s20+$0x4500 ss:$0x1], $0xffff;
	_ =	sdelay $0x1  }
0x3d: {  	v2 =	vadd.f32 v5, v2;
	v5 =	vld.idx.msk [tilespmem:v1+s20+$0x4580 ss:$0x1], $0xffff;
	_ =	sdelay $0x1  }
0x3e: {  	v2 =	vadd.f32 v3, v2;
	v3 =	vld.idx.msk [tilespmem:v1+s20+$0x4600 ss:$0x1], $0xffff;
	_ =	sdelay $0x1  }
0x3f: {  	v2 =	vadd.f32 v4, v2;
	v4 =	vld.idx.msk [tilespmem:v1+s20+$0x4680 ss:$0x1], $0xffff;
	_ =	sdelay $0x1  }
0x40: {  	v2 =	vadd.f32 v5, v2;
	v5 =	vld.idx.msk [tilespmem:v1+s20+$0x4700 ss:$0x1], $0xffff;
	_ =	sdelay $0x1  }
0x41: {  	v2 =	vadd.f32 v3, v2;
	v3 =	vld.idx.msk [tilespmem:v1+s20+$0x4780 ss:$0x1], $0xffff;
	_ =	sdelay $0x1  }
0x42: {  	v2 =	vadd.f32 v4, v2;
	_ =	sdelay $0x1  }
0x43: {  	v2 =	vadd.f32 v5, v2  }
.Ltmp5:
0x44: {  	(pc) =	sbr.rel @p0 .LBB2_9-.Ltmp5, $3  }
0x45: {  	v2 =	vadd.f32 v3, v2;
	_ =	sdelay $0x1  }
0x46: {  	[tilespmem:v0+s20+$0x0 ss:$0x1] =	vst.idx.msk $0xffff, v2;
	s20 =	sshra.s32 s21, $0x2  }
0x47: {  	s21 =	sadd.s32 $0x40, s21;
	v2 =	vld.idx.msk [tilespmem:v1+s20+$0x4000 ss:$0x1], $0xffff  }
0x48: {  	_ =	sdelay $0x3  }
0x49: {  	v3 =	vld.idx.msk [tilespmem:v0+s20+$0x0 ss:$0x1], $0xffff;
	_ =	sdelay $0x1  }
0x4a: {  	v4 =	vld.idx.msk [tilespmem:v1+s20+$0x4080 ss:$0x1], $0xffff;
	_ =	sdelay $0x1  }
0x4b: {  	v5 =	vld.idx.msk [tilespmem:v1+s20+$0x4100 ss:$0x1], $0xffff  }
0x4c: {  	v2 =	vadd.f32 v2, v3  }
0x4d: {  	v51 =	vld.idx.msk [tilespmem:v1+s20+$0x4180 ss:$0x1], $0xffff  }
0x4e: {  	v2 =	vadd.f32 v4, v2  }
0x4f: {  	v52 =	vld.idx.msk [tilespmem:v1+s20+$0x4200 ss:$0x1], $0xffff  }
0x50: {  	v2 =	vadd.f32 v5, v2  }
0x51: {  	v53 =	vld.idx.msk [tilespmem:v1+s20+$0x4280 ss:$0x1], $0xffff  }
0x52: {  	v2 =	vadd.f32 v51, v2  }
0x53: {  	v54 =	vld.idx.msk [tilespmem:v1+s20+$0x4300 ss:$0x1], $0xffff  }
0x54: {  	v2 =	vadd.f32 v52, v2  }
0x55: {  	v55 =	vld.idx.msk [tilespmem:v1+s20+$0x4380 ss:$0x1], $0xffff  }
0x56: {  	v2 =	vadd.f32 v53, v2  }
0x57: {  	v56 =	vld.idx.msk [tilespmem:v1+s20+$0x4400 ss:$0x1], $0xffff  }
0x58: {  	v2 =	vadd.f32 v54, v2  }
0x59: {  	v57 =	vld.idx.msk [tilespmem:v1+s20+$0x4480 ss:$0x1], $0xffff  }
0x5a: {  	v2 =	vadd.f32 v55, v2  }
0x5b: {  	v58 =	vld.idx.msk [tilespmem:v1+s20+$0x4500 ss:$0x1], $0xffff  }
0x5c: {  	v2 =	vadd.f32 v56, v2  }
0x5d: {  	v59 =	vld.idx.msk [tilespmem:v1+s20+$0x4580 ss:$0x1], $0xffff  }
0x5e: {  	v2 =	vadd.f32 v57, v2  }
0x5f: {  	v60 =	vld.idx.msk [tilespmem:v1+s20+$0x4600 ss:$0x1], $0xffff  }
0x60: {  	v2 =	vadd.f32 v58, v2  }
0x61: {  	v61 =	vld.idx.msk [tilespmem:v1+s20+$0x4680 ss:$0x1], $0xffff  }
0x62: {  	v2 =	vadd.f32 v59, v2  }
0x63: {  	v62 =	vld.idx.msk [tilespmem:v1+s20+$0x4700 ss:$0x1], $0xffff  }
0x64: {  	v2 =	vadd.f32 v60, v2  }
0x65: {  	v63 =	vld.idx.msk [tilespmem:v1+s20+$0x4780 ss:$0x1], $0xffff  }
0x66: {  	s17 =	sadd.s32 $0x1, s17;
	v2 =	vadd.f32 v61, v2  }
0x67: {  	p0 =	sne.s32 s17, $0x8  }
.Ltmp6:
0x68: {  	v2 =	vadd.f32 v62, v2;
	(pc) =	sbr.rel @p0 .LBB2_8-.Ltmp6, $4  }
.Ltmp7:
0x69: {  	_ = 	snop;
	(pc) =	sbr.rel @!p0 .LBB2_11-.Ltmp7, $4  }
0x6a: {  	v1 =	vadd.f32 v63, v2  }
0x6b: {  	_ = 	snop  }
0x6c: {  	s18 =	sadd.s32 $0x80, s18;
	s19 =	sadd.s32 $0x800, s19;
	[tilespmem:v0+s20+$0x0 ss:$0x1] =	vst.idx.msk $0xffff, v1  }
0x6d: {  	_ = 	snop  }
.LBB2_3:
0x6e: {  	_ =	swait.ge [sflag:s13], $0x4000  }
0x6f: {  	s17 =	simm.s32 $0x0;
	[sflag:s13] =	ssyncset.done $0x0  }
0x70: {  	s18 =	simm.s32 $0x9400;
	s19 =	simm.s32 $0x1800;
	[sflag:s13] =	ssyncadd.s32 $0xFFFFC000  }
.LBB2_4:
0x71: {  	v1 =	vmov s19  }
0x72: {  	v0 =	vmov s18;
	_ =	sdelay $0x2  }
0x73: {  	s20 =	simm.s32 $0x0  }
0x74: {  	s21 =	simm.s32 $0x40;
	v2 =	vld.idx.msk [tilespmem:v1+s20+$0xFFFFFC00 ss:$0x1], $0xffff  }
.LBB2_5:
0x75: {  	p0 =	sne.s32 s21, $0x1C0;
	v3 =	vld.idx.msk [tilespmem:v0+s20+$0x0 ss:$0x1], $0xffff;
	_ =	sdelay $0x1  }
0x76: {  	v4 =	vld.idx.msk [tilespmem:v1+s20+$0xFFFFFC80 ss:$0x1], $0xffff;
	_ =	sdelay $0x1  }
0x77: {  	v5 =	vld.idx.msk [tilespmem:v1+s20+$0xFFFFFD00 ss:$0x1], $0xffff;
	_ =	sdelay $0x1  }
0x78: {  	v2 =	vadd.f32 v2, v3;
	v3 =	vld.idx.msk [tilespmem:v1+s20+$0xFFFFFD80 ss:$0x1], $0xffff;
	_ =	sdelay $0x1  }
0x79: {  	v2 =	vadd.f32 v4, v2;
	v4 =	vld.idx.msk [tilespmem:v1+s20+$0xFFFFFE00 ss:$0x1], $0xffff;
	_ =	sdelay $0x1  }
0x7a: {  	v2 =	vadd.f32 v5, v2;
	v5 =	vld.idx.msk [tilespmem:v1+s20+$0xFFFFFE80 ss:$0x1], $0xffff;
	_ =	sdelay $0x1  }
0x7b: {  	v2 =	vadd.f32 v3, v2;
	v3 =	vld.idx.msk [tilespmem:v1+s20+$0xFFFFFF00 ss:$0x1], $0xffff;
	_ =	sdelay $0x1  }
0x7c: {  	v2 =	vadd.f32 v4, v2;
	v4 =	vld.idx.msk [tilespmem:v1+s20+$0xFFFFFF80 ss:$0x1], $0xffff;
	_ =	sdelay $0x1  }
0x7d: {  	v2 =	vadd.f32 v5, v2;
	v5 =	vld.idx.msk [tilespmem:v1+s20+$0x0 ss:$0x1], $0xffff;
	_ =	sdelay $0x1  }
0x7e: {  	v2 =	vadd.f32 v3, v2;
	v3 =	vld.idx.msk [tilespmem:v1+s20+$0x80 ss:$0x1], $0xffff;
	_ =	sdelay $0x1  }
0x7f: {  	v2 =	vadd.f32 v4, v2;
	v4 =	vld.idx.msk [tilespmem:v1+s20+$0x100 ss:$0x1], $0xffff;
	_ =	sdelay $0x1  }
0x80: {  	v2 =	vadd.f32 v5, v2;
	v5 =	vld.idx.msk [tilespmem:v1+s20+$0x180 ss:$0x1], $0xffff;
	_ =	sdelay $0x1  }
0x81: {  	v2 =	vadd.f32 v3, v2;
	v3 =	vld.idx.msk [tilespmem:v1+s20+$0x200 ss:$0x1], $0xffff;
	_ =	sdelay $0x1  }
0x82: {  	v2 =	vadd.f32 v4, v2;
	v4 =	vld.idx.msk [tilespmem:v1+s20+$0x280 ss:$0x1], $0xffff;
	_ =	sdelay $0x1  }
0x83: {  	v2 =	vadd.f32 v5, v2;
	v5 =	vld.idx.msk [tilespmem:v1+s20+$0x300 ss:$0x1], $0xffff;
	_ =	sdelay $0x1  }
0x84: {  	v2 =	vadd.f32 v3, v2;
	v3 =	vld.idx.msk [tilespmem:v1+s20+$0x380 ss:$0x1], $0xffff;
	_ =	sdelay $0x1  }
0x85: {  	v2 =	vadd.f32 v4, v2;
	_ =	sdelay $0x1  }
0x86: {  	v2 =	vadd.f32 v5, v2  }
.Ltmp8:
0x87: {  	(pc) =	sbr.rel @p0 .LBB2_5-.Ltmp8, $3  }
0x88: {  	v2 =	vadd.f32 v3, v2;
	_ =	sdelay $0x1  }
0x89: {  	[tilespmem:v0+s20+$0x0 ss:$0x1] =	vst.idx.msk $0xffff, v2;
	s20 =	sshra.s32 s21, $0x2  }
0x8a: {  	s21 =	sadd.s32 $0x40, s21;
	v2 =	vld.idx.msk [tilespmem:v1+s20+$0xFFFFFC00 ss:$0x1], $0xffff  }
0x8b: {  	_ =	sdelay $0x3  }
0x8c: {  	v3 =	vld.idx.msk [tilespmem:v0+s20+$0x0 ss:$0x1], $0xffff;
	_ =	sdelay $0x1  }
0x8d: {  	v4 =	vld.idx.msk [tilespmem:v1+s20+$0xFFFFFC80 ss:$0x1], $0xffff;
	_ =	sdelay $0x1  }
0x8e: {  	v5 =	vld.idx.msk [tilespmem:v1+s20+$0xFFFFFD00 ss:$0x1], $0xffff  }
0x8f: {  	v2 =	vadd.f32 v2, v3  }
0x90: {  	v51 =	vld.idx.msk [tilespmem:v1+s20+$0xFFFFFD80 ss:$0x1], $0xffff  }
0x91: {  	v2 =	vadd.f32 v4, v2  }
0x92: {  	v52 =	vld.idx.msk [tilespmem:v1+s20+$0xFFFFFE00 ss:$0x1], $0xffff  }
0x93: {  	v2 =	vadd.f32 v5, v2  }
0x94: {  	v53 =	vld.idx.msk [tilespmem:v1+s20+$0xFFFFFE80 ss:$0x1], $0xffff  }
0x95: {  	v2 =	vadd.f32 v51, v2  }
0x96: {  	v54 =	vld.idx.msk [tilespmem:v1+s20+$0xFFFFFF00 ss:$0x1], $0xffff  }
0x97: {  	v2 =	vadd.f32 v52, v2  }
0x98: {  	v55 =	vld.idx.msk [tilespmem:v1+s20+$0xFFFFFF80 ss:$0x1], $0xffff  }
0x99: {  	v2 =	vadd.f32 v53, v2  }
0x9a: {  	v56 =	vld.idx.msk [tilespmem:v1+s20+$0x0 ss:$0x1], $0xffff  }
0x9b: {  	v2 =	vadd.f32 v54, v2  }
0x9c: {  	v57 =	vld.idx.msk [tilespmem:v1+s20+$0x80 ss:$0x1], $0xffff  }
0x9d: {  	v2 =	vadd.f32 v55, v2  }
0x9e: {  	v58 =	vld.idx.msk [tilespmem:v1+s20+$0x100 ss:$0x1], $0xffff  }
0x9f: {  	v2 =	vadd.f32 v56, v2  }
0xa0: {  	v59 =	vld.idx.msk [tilespmem:v1+s20+$0x180 ss:$0x1], $0xffff  }
0xa1: {  	v2 =	vadd.f32 v57, v2  }
0xa2: {  	v60 =	vld.idx.msk [tilespmem:v1+s20+$0x200 ss:$0x1], $0xffff  }
0xa3: {  	v2 =	vadd.f32 v58, v2  }
0xa4: {  	v61 =	vld.idx.msk [tilespmem:v1+s20+$0x280 ss:$0x1], $0xffff  }
0xa5: {  	v2 =	vadd.f32 v59, v2  }
0xa6: {  	v62 =	vld.idx.msk [tilespmem:v1+s20+$0x300 ss:$0x1], $0xffff  }
0xa7: {  	v2 =	vadd.f32 v60, v2  }
0xa8: {  	v63 =	vld.idx.msk [tilespmem:v1+s20+$0x380 ss:$0x1], $0xffff  }
0xa9: {  	s17 =	sadd.s32 $0x1, s17;
	v2 =	vadd.f32 v61, v2  }
0xaa: {  	p0 =	seq.s32 s17, $0x8  }
.Ltmp9:
0xab: {  	v2 =	vadd.f32 v62, v2;
	(pc) =	sbr.rel @!p0 .LBB2_4-.Ltmp9, $4  }
.Ltmp10:
0xac: {  	_ = 	snop;
	(pc) =	sbr.rel @p0 .LBB2_11-.Ltmp10, $4  }
0xad: {  	v1 =	vadd.f32 v63, v2  }
0xae: {  	_ = 	snop  }
0xaf: {  	s18 =	sadd.s32 $0x80, s18;
	s19 =	sadd.s32 $0x800, s19;
	[tilespmem:v0+s20+$0x0 ss:$0x1] =	vst.idx.msk $0xffff, v1  }
0xb0: {  	_ = 	snop  }
.LBB2_13:
0xb1: {  	_ =	sfence.sel $0x180000  }
0xb2: {  	[bflag:$0x0] =	sbarrier.arrive $0xFFFF  }
0xb3: {  	p0 =	sne.s32 s0, $0x0;
	_ =	strace $0x90000047  }
0xb4: {  	s0 =	sadd.s32 @!p0 $0x100000, s1;
	[bflag:$0x2] =	sbarrier.arrive $0xFFFF  }
0xb5: {  	[sflag:s0] =	ssyncadd.tile.s32 @!p0 $0x1;
	_ =	shalt  }
.Lfunc_end2:
_tile_overlayer_lowered:
.L_overlay_start_2:
0xb6: {  	(tag) =	ssettag $0x2  }
0xb7: {  	s0 =	rddreg [dreg:$0x0];
	s2 =	stileid.u32  }
0xb8: {  	s1 =	rddreg [dreg:$0x1];
	p0 =	sne.s32 s2, $0x0  }
0xb9: {  	s3 =	rddreg [dreg:$0x2];
	[bflag:$0x3] =	sbarrier.arrive $0xFFFF;
	s2 =	simm.s32 @!p0 $0x1C03  }
0xba: {  	[timem:s3], [sflag:s2] =	dma.local @!p0 [hbm:s0], s1  }
0xbb: {  	s0 =	simm.s32 @!p0 $0x3  }
0xbc: {  	_ =	swait.ge @!p0 [sflag:s0], s1  }
0xbd: {  	s1 =	ssub.s32 @!p0 $0x0, s1;
	[sflag:s0] =	ssyncset.done @!p0 $0x0  }
0xbe: {  	[sflag:s0] =	ssyncadd.s32 @!p0 s1  }
0xbf: {  	[bflag:$0x3] =	sbarrier.arrive $0xFFFF  }
0xc0: {  	_ =	shalt  }

</sc_bundles>
